<compile_context>
chip_gen: v7x
topology: tpu7x:2x2x1
jax: 0.10.2.dev20260603
libtpu: 0.0.44.dev20260713+nightly
codegen_flags: <defaults>
</compile_context>

<pallas_src>
import functools

import jax
import jax.numpy as jnp
import numpy as np
from jax import lax
from jax.experimental import pallas as pl
from jax.experimental.pallas import tpu as pltpu
from jax.experimental.pallas import tpu_sc as plsc

_NUM_MOVES = 1968
_NEG = np.float32(-1e30)


def _threefry2x32(x0, x1):
    k0 = jnp.uint32(0)
    k1 = jnp.uint32(1)
    ks = [k0, k1, k0 ^ k1 ^ jnp.uint32(0x1BD11BDA)]
    rot_a = [13, 15, 26, 6]
    rot_b = [17, 29, 16, 24]

    def rotl(x, r):
        return (x << jnp.uint32(r)) | (x >> jnp.uint32(32 - r))

    x0 = x0 + ks[0]
    x1 = x1 + ks[1]
    for i, rots in enumerate([rot_a, rot_b, rot_a, rot_b, rot_a]):
        for r in rots:
            x0 = x0 + x1
            x1 = rotl(x1, r)
            x1 = x0 ^ x1
        x0 = x0 + ks[(i + 1) % 3]
        x1 = x1 + ks[(i + 2) % 3] + jnp.uint32(i + 1)
    return x0, x1


def _gumbel_from_flat_idx(flat_idx):
    i = flat_idx.astype(jnp.uint32)
    z0, z1 = _threefry2x32(jnp.zeros_like(i), i)
    bits = z0 ^ z1
    f = lax.bitcast_convert_type(
        (bits >> jnp.uint32(9)) | jnp.uint32(0x3F800000), jnp.float32
    ) - jnp.float32(1.0)
    span = np.float32(1.0) - np.float32(1e-10)
    u = jnp.maximum(jnp.float32(1e-10), f * span + jnp.float32(1e-10))
    return -jnp.log(-jnp.log(u))


def _sc_gather_mask(logits, ids_wide):
    nwide, wl = ids_wide.shape
    info = plsc.get_sparse_core_info()
    nworker = info.num_cores * info.num_subcores
    wper = nwide // nworker
    mesh = plsc.VectorSubcoreMesh(core_axis_name="c", subcore_axis_name="s")

    @functools.partial(
        pl.kernel,
        mesh=mesh,
        compiler_params=pltpu.CompilerParams(needs_layout_passes=False),
        out_type=jax.ShapeDtypeStruct((nwide, wl), jnp.float32),
        scratch_types=(
            [pltpu.VMEM((_NUM_MOVES,), jnp.float32)]
            + [pltpu.VMEM((_NUM_MOVES,), jnp.int32) for _ in range(8)]
            + [pltpu.VMEM((wper, wl), jnp.int32),
               pltpu.VMEM((wper, wl), jnp.float32)]
        ),
    )
    def sc_kernel(logits_hbm, ids_hbm, gm_hbm, table_v, s0, s1, s2, s3, s4,
                  s5, s6, s7, idx_v, gm_v):
        slot_tables = (s0, s1, s2, s3, s4, s5, s6, s7)
        wid = lax.axis_index("s") * info.num_cores + lax.axis_index("c")
        base = wid * wper
        pltpu.sync_copy(logits_hbm, table_v)
        pltpu.sync_copy(ids_hbm.at[pl.ds(base, wper)], idx_v)
        lane = lax.iota(jnp.int32, 16)

        def row_body(it, carry):
            wr0 = pl.multiple_of(it * 4, 4)
            for j in range(8):
                wr = wr0 + j // 2
                cb = (j % 2) * 64
                slot_t = slot_tables[j]
                idxs = []
                gs = []
                for k in range(4):
                    sl = pl.ds(cb + k * 16, 16)
                    idx = idx_v[wr, sl]
                    idxs.append(idx)
                    gs.append(plsc.load_gather(table_v, [idx]))
                    plsc.store_scatter(slot_t, [idx], lane + jnp.int32(k * 16))
                m01 = jnp.maximum(gs[0], gs[1])
                m23 = jnp.maximum(gs[2], gs[3])
                m = lax.reduce_max(jnp.maximum(m01, m23), axes=(0,))
                mv = jnp.full((16,), m, dtype=jnp.float32)
                for k in range(4):
                    sl = pl.ds(cb + k * 16, 16)
                    winner = plsc.load_gather(slot_t, [idxs[k]])
                    gm_v[wr, sl] = jnp.where(
                        winner == lane + jnp.int32(k * 16), gs[k] - mv, _NEG)
            return carry

        lax.fori_loop(0, wper // 4, row_body, 0)
        pltpu.sync_copy(gm_v, gm_hbm.at[pl.ds(base, wper)])

    return sc_kernel(logits, ids_wide)


def _tc_gumbel(ids_wide, half_b, block_rows):
    n, w = ids_wide.shape
    grid = (n // block_rows,)

    def body(ids_ref, gum_ref):
        ids = ids_ref[...]
        wrow = pl.program_id(0) * block_rows + lax.broadcasted_iota(
            jnp.int32, (block_rows, w), 0)
        lanes = lax.broadcasted_iota(jnp.int32, (block_rows, w), 1)
        row = wrow + jnp.where(lanes >= 64, jnp.int32(half_b), jnp.int32(0))
        gum_ref[...] = _gumbel_from_flat_idx(row * jnp.int32(_NUM_MOVES) + ids)

    return pl.pallas_call(
        body,
        grid=grid,
        in_specs=[pl.BlockSpec((block_rows, w), lambda i: (i, 0))],
        out_specs=pl.BlockSpec((block_rows, w), lambda i: (i, 0)),
        out_shape=jax.ShapeDtypeStruct((n, w), jnp.float32),
    )(ids_wide)


def _tc_combine(ids_wide, gm_wide, gum_wide, b, l, wide_block):
    nw = b * l // 128
    grid = (nw // wide_block,)
    w = wide_block

    ng = nw // w

    def body(ids_ref, gm_ref, gum_ref, se_ref, so_ref, le_ref, lo_ref):
        idsf = ids_ref[...].astype(jnp.float32)

        def seg(x, red):
            a = red(x[:, :64], axis=1, keepdims=True)
            c = red(x[:, 64:], axis=1, keepdims=True)
            return jnp.concatenate(
                [jnp.broadcast_to(a, (w, 64)), jnp.broadcast_to(c, (w, 64))],
                axis=1)

        e = jnp.exp(gm_ref[...])
        z = seg(e, jnp.sum)
        logp = jnp.log(e / z + jnp.float32(1e-30))
        cand = logp + gum_ref[...]
        maxv = seg(cand, jnp.max)
        wids = jnp.where(cand == maxv, idsf, jnp.float32(3e38))
        sa = jnp.min(wids[:, :64], axis=1)
        sc = jnp.min(wids[:, 64:], axis=1)
        se_ref[...] = sa.astype(jnp.int32)
        so_ref[...] = sc.astype(jnp.int32)
        samp = jnp.concatenate(
            [jnp.broadcast_to(sa[:, None], (w, 64)),
             jnp.broadcast_to(sc[:, None], (w, 64))], axis=1)
        lp = jnp.where(idsf == samp, logp, jnp.float32(-3e38))
        le_ref[...] = jnp.max(lp[:, :64], axis=1)
        lo_ref[...] = jnp.max(lp[:, 64:], axis=1)

    return pl.pallas_call(
        body,
        grid=grid,
        in_specs=[
            pl.BlockSpec((w, 128), lambda i: (i, 0)),
            pl.BlockSpec((w, 128), lambda i: (i, 0)),
            pl.BlockSpec((w, 128), lambda i: (i, 0)),
        ],
        out_specs=[
            pl.BlockSpec((w,), lambda i: (i,)),
            pl.BlockSpec((w,), lambda i: (i,)),
            pl.BlockSpec((w,), lambda i: (i,)),
            pl.BlockSpec((w,), lambda i: (i,)),
        ],
        out_shape=[
            jax.ShapeDtypeStruct((nw,), jnp.int32),
            jax.ShapeDtypeStruct((nw,), jnp.int32),
            jax.ShapeDtypeStruct((nw,), jnp.float32),
            jax.ShapeDtypeStruct((nw,), jnp.float32),
        ],
    )(ids_wide, gm_wide, gum_wide)


def kernel(legal_ids, logits):
    b, l = legal_ids.shape
    nw = b * l // 128
    ids_wide = jnp.concatenate([legal_ids[: b // 2], legal_ids[b // 2:]],
                               axis=1)
    gm_wide = _sc_gather_mask(logits, ids_wide)
    gum_wide = _tc_gumbel(ids_wide, b // 2, 512)
    s_lo, s_hi, l_lo, l_hi = _tc_combine(
        ids_wide, gm_wide, gum_wide, b, l, 512)
    sample = jnp.concatenate([s_lo.reshape(-1), s_hi.reshape(-1)])
    logp = jnp.concatenate([l_lo.reshape(-1), l_hi.reshape(-1)]).reshape(b, 1)
    return sample, logp

# --- scband reference (transcript-rebuilt; emitter-appended) ---
"""Pipeline reference for scband-tabular-policy-34402688041048 (READ-ONLY COPY).

The authoritative reference and input builder live on the scoring server;
editing this copy changes nothing except your own understanding.
"""

import jax, jax.numpy as jnp
import numpy as np

NUMBER_UCI_MOVES = 1968
B = 16384
L = 64
NEG = -1e30

def setup_inputs(seed: int = 0) -> dict:
    key = jax.random.key(seed)
    k1, k2 = jax.random.split(key)
    legal_ids = jax.random.randint(k1, (B, L), 0, NUMBER_UCI_MOVES, dtype=jnp.int64 if jax.config.jax_enable_x64 else jnp.int32)
    legal_ids = legal_ids.astype(jnp.int32)
    logits = jax.random.normal(k2, (NUMBER_UCI_MOVES,), dtype=jnp.float32)
    return {"legal_ids": legal_ids, "logits": logits}

def reference(legal_ids, logits):
    # Build legal-move mask per observation via scatter-overwrite (SparseCore-friendly)
    rows = jnp.arange(legal_ids.shape[0])[:, None]
    mask = jnp.zeros((legal_ids.shape[0], NUMBER_UCI_MOVES), dtype=jnp.float32)
    mask = mask.at[rows, legal_ids].set(1.0)
    # masked_fill(mask == 0, -inf); use large finite negative for grad safety
    masked_logits = jnp.where(mask == 0, NEG, logits[None, :])
    probs = jax.nn.softmax(masked_logits, axis=-1)
    # multinomial(num_samples=1) via Gumbel-max trick (deterministic key)
    gkey = jax.random.key(1)
    u = jax.random.uniform(gkey, probs.shape, minval=1e-10, maxval=1.0)
    gumbel = -jnp.log(-jnp.log(u))
    logp_all = jnp.log(probs + 1e-30)
    sample = jnp.argmax(jnp.where(mask == 0, NEG, logp_all + gumbel), axis=-1)
    logprob = jnp.take_along_axis(logp_all, sample[:, None], axis=1)
    return (sample, logprob)

if __name__ == "__main__":
    import jax
    _d = setup_inputs()
    print(jax.jit(kernel)(*tuple(_d.values())))

</pallas_src>

<mosaic_0001>
#map = affine_map<(d0, d1) -> (0)>
#map1 = affine_map<(d0, d1) -> (0, 0)>
module attributes {stable_mosaic.version = 14 : i64} {
  func.func @sc_kernel(%arg0: i32, %arg1: i32, %arg2: memref<1968xf32, #tpu.memory_space<hbm>>, %arg3: memref<8192x128xi32, #tpu.memory_space<hbm>>, %arg4: memref<8192x128xf32, #tpu.memory_space<hbm>>, %arg5: memref<1968xf32, #tpu.memory_space<vmem>>, %arg6: memref<1968xi32, #tpu.memory_space<vmem>>, %arg7: memref<1968xi32, #tpu.memory_space<vmem>>, %arg8: memref<1968xi32, #tpu.memory_space<vmem>>, %arg9: memref<1968xi32, #tpu.memory_space<vmem>>, %arg10: memref<1968xi32, #tpu.memory_space<vmem>>, %arg11: memref<1968xi32, #tpu.memory_space<vmem>>, %arg12: memref<1968xi32, #tpu.memory_space<vmem>>, %arg13: memref<1968xi32, #tpu.memory_space<vmem>>, %arg14: memref<256x128xi32, #tpu.memory_space<vmem>>, %arg15: memref<256x128xf32, #tpu.memory_space<vmem>>) attributes {dimension_semantics = [#tpu.dimension_semantics<core_parallel>, #tpu.dimension_semantics<subcore_parallel>], iteration_bounds = array<i64: 2, 16>, scalar_prefetch = 0 : i64, scratch_operands = 11 : i64, tpu.core_type = #tpu.core_type<sc_vector_subcore>, window_params = [{transform_indices = #map}, {transform_indices = #map1}, {transform_indices = #map1}]} {
    %mul3A = arith.constant 2 : i32
    %mul3A_0 = arith.muli %arg1, %mul3A : i32
    %add3A = arith.addi %mul3A_0, %arg0 : i32
    %mul3A_1 = arith.constant 256 : i32
    %mul3A_2 = arith.muli %add3A, %mul3A_1 : i32
    "tpu.region"() ({
      %run_scoped3A = tpu.sem_alloc : memref<!tpu.dma_semaphore, #tpu.memory_space<semaphore_mem>>
      tpu.enqueue_dma source(%arg2 : memref<1968xf32, #tpu.memory_space<hbm>>) target(%arg5 : memref<1968xf32, #tpu.memory_space<vmem>>) target_semaphore(%run_scoped3A : memref<!tpu.dma_semaphore, #tpu.memory_space<semaphore_mem>>)
      tpu.wait_dma2 semaphore(%run_scoped3A : memref<!tpu.dma_semaphore, #tpu.memory_space<semaphore_mem>>) src(%arg2 : memref<1968xf32, #tpu.memory_space<hbm>>) dst(%arg5 : memref<1968xf32, #tpu.memory_space<vmem>>)
      tpu.yield
    }) : () -> ()
    "tpu.region"() ({
      %run_scoped3A = tpu.sem_alloc : memref<!tpu.dma_semaphore, #tpu.memory_space<semaphore_mem>>
      %dma_start3A = arith.constant 0 : i32
      %dma_start3A_8 = tpu.memref_slice %arg3[%mul3A_2, %dma_start3A] : memref<8192x128xi32, #tpu.memory_space<hbm>> -> memref<256x128xi32, #tpu.memory_space<hbm>>
      %dma_start3A_9 = arith.constant 0 : i32
      %dma_start3A_10 = tpu.memref_slice %arg3[%mul3A_2, %dma_start3A_9] : memref<8192x128xi32, #tpu.memory_space<hbm>> -> memref<256x128xi32, #tpu.memory_space<hbm>>
      tpu.enqueue_dma source(%dma_start3A_10 : memref<256x128xi32, #tpu.memory_space<hbm>>) target(%arg14 : memref<256x128xi32, #tpu.memory_space<vmem>>) target_semaphore(%run_scoped3A : memref<!tpu.dma_semaphore, #tpu.memory_space<semaphore_mem>>)
      %dma_wait3A = arith.constant 0 : i32
      %dma_wait3A_11 = tpu.memref_slice %arg3[%mul3A_2, %dma_wait3A] : memref<8192x128xi32, #tpu.memory_space<hbm>> -> memref<256x128xi32, #tpu.memory_space<hbm>>
      %dma_wait3A_12 = arith.constant 0 : i32
      %dma_wait3A_13 = tpu.memref_slice %arg3[%mul3A_2, %dma_wait3A_12] : memref<8192x128xi32, #tpu.memory_space<hbm>> -> memref<256x128xi32, #tpu.memory_space<hbm>>
      tpu.wait_dma2 semaphore(%run_scoped3A : memref<!tpu.dma_semaphore, #tpu.memory_space<semaphore_mem>>) src(%dma_wait3A_13 : memref<256x128xi32, #tpu.memory_space<hbm>>) dst(%arg14 : memref<256x128xi32, #tpu.memory_space<vmem>>)
      tpu.yield
    }) : () -> ()
    %iota3A = tpu.iota {dimensions = array<i32: 0>} : vector<16xi32>
    %scan3A = arith.constant 0 : i32
    %scan3A_3 = arith.constant 0 : i32
    %scan3A_4 = arith.constant 64 : i32
    %scan3A_5 = arith.addi %scan3A_3, %scan3A_4 : i32
    %scan3A_6 = arith.constant 1 : i32
    scf.for %scan3A_8 = %scan3A_3 to %scan3A_5 step %scan3A_6  : i32 {
      %mul3A_9 = arith.constant 4 : i32
      %mul3A_10 = arith.muli %scan3A_8, %mul3A_9 : i32
      %multiple_of3A = tpu.assume_multiple %mul3A_10, 4 : i32
      %add3A_11 = arith.constant 0 : i32
      %add3A_12 = arith.addi %multiple_of3A, %add3A_11 : i32
      %get3A = arith.index_cast %add3A_12 : i32 to index
      %get3A_13 = arith.constant 0 : index
      %get3A_14 = tpu.vector_load %arg14[%get3A, %get3A_13] {strides = array<i32>} : memref<256x128xi32, #tpu.memory_space<vmem>>, vector<16xi32>,
      %gather3A = tpu.vector_load_idx %arg5[%get3A_14] : memref<1968xf32, #tpu.memory_space<vmem>>[vector<16xi32>], vector<16xf32>,
      %add3A_15 = arith.constant 0 : i32
      %add3A_16 = vector.broadcast %add3A_15 : i32 to vector<16xi32>
      %add3A_17 = arith.addi %iota3A, %add3A_16 : vector<16xi32>
      tpu.vector_store_idx %arg6[%get3A_14], %add3A_17 : memref<1968xi32, #tpu.memory_space<vmem>>[vector<16xi32>], vector<16xi32>,
      %get3A_18 = arith.index_cast %add3A_12 : i32 to index
      %get3A_19 = arith.constant 16 : index
      %get3A_20 = tpu.vector_load %arg14[%get3A_18, %get3A_19] {strides = array<i32>} : memref<256x128xi32, #tpu.memory_space<vmem>>, vector<16xi32>,
      %gather3A_21 = tpu.vector_load_idx %arg5[%get3A_20] : memref<1968xf32, #tpu.memory_space<vmem>>[vector<16xi32>], vector<16xf32>,
      %add3A_22 = arith.constant 16 : i32
      %add3A_23 = vector.broadcast %add3A_22 : i32 to vector<16xi32>
      %add3A_24 = arith.addi %iota3A, %add3A_23 : vector<16xi32>
      tpu.vector_store_idx %arg6[%get3A_20], %add3A_24 : memref<1968xi32, #tpu.memory_space<vmem>>[vector<16xi32>], vector<16xi32>,
      %get3A_25 = arith.index_cast %add3A_12 : i32 to index
      %get3A_26 = arith.constant 32 : index
      %get3A_27 = tpu.vector_load %arg14[%get3A_25, %get3A_26] {strides = array<i32>} : memref<256x128xi32, #tpu.memory_space<vmem>>, vector<16xi32>,
      %gather3A_28 = tpu.vector_load_idx %arg5[%get3A_27] : memref<1968xf32, #tpu.memory_space<vmem>>[vector<16xi32>], vector<16xf32>,
      %add3A_29 = arith.constant 32 : i32
      %add3A_30 = vector.broadcast %add3A_29 : i32 to vector<16xi32>
      %add3A_31 = arith.addi %iota3A, %add3A_30 : vector<16xi32>
      tpu.vector_store_idx %arg6[%get3A_27], %add3A_31 : memref<1968xi32, #tpu.memory_space<vmem>>[vector<16xi32>], vector<16xi32>,
      %get3A_32 = arith.index_cast %add3A_12 : i32 to index
      %get3A_33 = arith.constant 48 : index
      %get3A_34 = tpu.vector_load %arg14[%get3A_32, %get3A_33] {strides = array<i32>} : memref<256x128xi32, #tpu.memory_space<vmem>>, vector<16xi32>,
      %gather3A_35 = tpu.vector_load_idx %arg5[%get3A_34] : memref<1968xf32, #tpu.memory_space<vmem>>[vector<16xi32>], vector<16xf32>,
      %add3A_36 = arith.constant 48 : i32
      %add3A_37 = vector.broadcast %add3A_36 : i32 to vector<16xi32>
      %add3A_38 = arith.addi %iota3A, %add3A_37 : vector<16xi32>
      tpu.vector_store_idx %arg6[%get3A_34], %add3A_38 : memref<1968xi32, #tpu.memory_space<vmem>>[vector<16xi32>], vector<16xi32>,
      %max3A = arith.maximumf %gather3A, %gather3A_21 : vector<16xf32>
      %max3A_39 = arith.maximumf %gather3A_28, %gather3A_35 : vector<16xf32>
      %max3A_40 = arith.maximumf %max3A, %max3A_39 : vector<16xf32>
      %reduce_max3A = arith.constant true
      %reduce_max3A_41 = vector.broadcast %reduce_max3A : i1 to vector<16xi1>
      %reduce_max3A_42 = tpu.scan <max>, %max3A_40 masked %reduce_max3A_41 : vector<16xf32>, vector<16xi1> -> vector<16xf32>
      %reduce_max3A_43 = vector.extract %reduce_max3A_42[15] : f32 from vector<16xf32>
      %broadcast_in_dim3A = vector.broadcast %reduce_max3A_43 : f32 to vector<16xf32>
      %gather3A_44 = tpu.vector_load_idx %arg6[%get3A_14] : memref<1968xi32, #tpu.memory_space<vmem>>[vector<16xi32>], vector<16xi32>,
      %add3A_45 = arith.constant 0 : i32
      %add3A_46 = vector.broadcast %add3A_45 : i32 to vector<16xi32>
      %add3A_47 = arith.addi %iota3A, %add3A_46 : vector<16xi32>
      %eq3A = arith.cmpi eq, %gather3A_44, %add3A_47 : vector<16xi32>
      %sub3A = arith.subf %gather3A, %broadcast_in_dim3A : vector<16xf32>
      %jit3A = arith.constant -1.000000e+30 : f32
      %broadcast_in_dim3A_48 = vector.broadcast %jit3A : f32 to vector<16xf32>
      %select_n3A = arith.select %eq3A, %sub3A, %broadcast_in_dim3A_48 : vector<16xi1>, vector<16xf32>
      %swap3A = arith.index_cast %add3A_12 : i32 to index
      %swap3A_49 = arith.constant 0 : index
      %swap3A_50 = tpu.vector_load %arg15[%swap3A, %swap3A_49] {strides = array<i32>} : memref<256x128xf32, #tpu.memory_space<vmem>>, vector<16xf32>,
      tpu.vector_store %arg15[%swap3A, %swap3A_49], %select_n3A {strides = array<i32>} : memref<256x128xf32, #tpu.memory_space<vmem>>, vector<16xf32>,
      %gather3A_51 = tpu.vector_load_idx %arg6[%get3A_20] : memref<1968xi32, #tpu.memory_space<vmem>>[vector<16xi32>], vector<16xi32>,
      %add3A_52 = arith.constant 16 : i32
      %add3A_53 = vector.broadcast %add3A_52 : i32 to vector<16xi32>
      %add3A_54 = arith.addi %iota3A, %add3A_53 : vector<16xi32>
      %eq3A_55 = arith.cmpi eq, %gather3A_51, %add3A_54 : vector<16xi32>
      %sub3A_56 = arith.subf %gather3A_21, %broadcast_in_dim3A : vector<16xf32>
      %jit3A_57 = arith.constant -1.000000e+30 : f32
      %broadcast_in_dim3A_58 = vector.broadcast %jit3A_57 : f32 to vector<16xf32>
      %select_n3A_59 = arith.select %eq3A_55, %sub3A_56, %broadcast_in_dim3A_58 : vector<16xi1>, vector<16xf32>
      %swap3A_60 = arith.index_cast %add3A_12 : i32 to index
      %swap3A_61 = arith.constant 16 : index
      %swap3A_62 = tpu.vector_load %arg15[%swap3A_60, %swap3A_61] {strides = array<i32>} : memref<256x128xf32, #tpu.memory_space<vmem>>, vector<16xf32>,
      tpu.vector_store %arg15[%swap3A_60, %swap3A_61], %select_n3A_59 {strides = array<i32>} : memref<256x128xf32, #tpu.memory_space<vmem>>, vector<16xf32>,
      %gather3A_63 = tpu.vector_load_idx %arg6[%get3A_27] : memref<1968xi32, #tpu.memory_space<vmem>>[vector<16xi32>], vector<16xi32>,
      %add3A_64 = arith.constant 32 : i32
      %add3A_65 = vector.broadcast %add3A_64 : i32 to vector<16xi32>
      %add3A_66 = arith.addi %iota3A, %add3A_65 : vector<16xi32>
      %eq3A_67 = arith.cmpi eq, %gather3A_63, %add3A_66 : vector<16xi32>
      %sub3A_68 = arith.subf %gather3A_28, %broadcast_in_dim3A : vector<16xf32>
      %jit3A_69 = arith.constant -1.000000e+30 : f32
      %broadcast_in_dim3A_70 = vector.broadcast %jit3A_69 : f32 to vector<16xf32>
      %select_n3A_71 = arith.select %eq3A_67, %sub3A_68, %broadcast_in_dim3A_70 : vector<16xi1>, vector<16xf32>
      %swap3A_72 = arith.index_cast %add3A_12 : i32 to index
      %swap3A_73 = arith.constant 32 : index
      %swap3A_74 = tpu.vector_load %arg15[%swap3A_72, %swap3A_73] {strides = array<i32>} : memref<256x128xf32, #tpu.memory_space<vmem>>, vector<16xf32>,
      tpu.vector_store %arg15[%swap3A_72, %swap3A_73], %select_n3A_71 {strides = array<i32>} : memref<256x128xf32, #tpu.memory_space<vmem>>, vector<16xf32>,
      %gather3A_75 = tpu.vector_load_idx %arg6[%get3A_34] : memref<1968xi32, #tpu.memory_space<vmem>>[vector<16xi32>], vector<16xi32>,
      %add3A_76 = arith.constant 48 : i32
      %add3A_77 = vector.broadcast %add3A_76 : i32 to vector<16xi32>
      %add3A_78 = arith.addi %iota3A, %add3A_77 : vector<16xi32>
      %eq3A_79 = arith.cmpi eq, %gather3A_75, %add3A_78 : vector<16xi32>
      %sub3A_80 = arith.subf %gather3A_35, %broadcast_in_dim3A : vector<16xf32>
      %jit3A_81 = arith.constant -1.000000e+30 : f32
      %broadcast_in_dim3A_82 = vector.broadcast %jit3A_81 : f32 to vector<16xf32>
      %select_n3A_83 = arith.select %eq3A_79, %sub3A_80, %broadcast_in_dim3A_82 : vector<16xi1>, vector<16xf32>
      %swap3A_84 = arith.index_cast %add3A_12 : i32 to index
      %swap3A_85 = arith.constant 48 : index
      %swap3A_86 = tpu.vector_load %arg15[%swap3A_84, %swap3A_85] {strides = array<i32>} : memref<256x128xf32, #tpu.memory_space<vmem>>, vector<16xf32>,
      tpu.vector_store %arg15[%swap3A_84, %swap3A_85], %select_n3A_83 {strides = array<i32>} : memref<256x128xf32, #tpu.memory_space<vmem>>, vector<16xf32>,
      %add3A_87 = arith.constant 0 : i32
      %add3A_88 = arith.addi %multiple_of3A, %add3A_87 : i32
      %get3A_89 = arith.index_cast %add3A_88 : i32 to index
      %get3A_90 = arith.constant 64 : index
      %get3A_91 = tpu.vector_load %arg14[%get3A_89, %get3A_90] {strides = array<i32>} : memref<256x128xi32, #tpu.memory_space<vmem>>, vector<16xi32>,
      %gather3A_92 = tpu.vector_load_idx %arg5[%get3A_91] : memref<1968xf32, #tpu.memory_space<vmem>>[vector<16xi32>], vector<16xf32>,
      %add3A_93 = arith.constant 0 : i32
      %add3A_94 = vector.broadcast %add3A_93 : i32 to vector<16xi32>
      %add3A_95 = arith.addi %iota3A, %add3A_94 : vector<16xi32>
      tpu.vector_store_idx %arg7[%get3A_91], %add3A_95 : memref<1968xi32, #tpu.memory_space<vmem>>[vector<16xi32>], vector<16xi32>,
      %get3A_96 = arith.index_cast %add3A_88 : i32 to index
      %get3A_97 = arith.constant 80 : index
      %get3A_98 = tpu.vector_load %arg14[%get3A_96, %get3A_97] {strides = array<i32>} : memref<256x128xi32, #tpu.memory_space<vmem>>, vector<16xi32>,
      %gather3A_99 = tpu.vector_load_idx %arg5[%get3A_98] : memref<1968xf32, #tpu.memory_space<vmem>>[vector<16xi32>], vector<16xf32>,
      %add3A_100 = arith.constant 16 : i32
      %add3A_101 = vector.broadcast %add3A_100 : i32 to vector<16xi32>
      %add3A_102 = arith.addi %iota3A, %add3A_101 : vector<16xi32>
      tpu.vector_store_idx %arg7[%get3A_98], %add3A_102 : memref<1968xi32, #tpu.memory_space<vmem>>[vector<16xi32>], vector<16xi32>,
      %get3A_103 = arith.index_cast %add3A_88 : i32 to index
      %get3A_104 = arith.constant 96 : index
      %get3A_105 = tpu.vector_load %arg14[%get3A_103, %get3A_104] {strides = array<i32>} : memref<256x128xi32, #tpu.memory_space<vmem>>, vector<16xi32>,
      %gather3A_106 = tpu.vector_load_idx %arg5[%get3A_105] : memref<1968xf32, #tpu.memory_space<vmem>>[vector<16xi32>], vector<16xf32>,
      %add3A_107 = arith.constant 32 : i32
      %add3A_108 = vector.broadcast %add3A_107 : i32 to vector<16xi32>
      %add3A_109 = arith.addi %iota3A, %add3A_108 : vector<16xi32>
      tpu.vector_store_idx %arg7[%get3A_105], %add3A_109 : memref<1968xi32, #tpu.memory_space<vmem>>[vector<16xi32>], vector<16xi32>,
      %get3A_110 = arith.index_cast %add3A_88 : i32 to index
      %get3A_111 = arith.constant 112 : index
      %get3A_112 = tpu.vector_load %arg14[%get3A_110, %get3A_111] {strides = array<i32>} : memref<256x128xi32, #tpu.memory_space<vmem>>, vector<16xi32>,
      %gather3A_113 = tpu.vector_load_idx %arg5[%get3A_112] : memref<1968xf32, #tpu.memory_space<vmem>>[vector<16xi32>], vector<16xf32>,
      %add3A_114 = arith.constant 48 : i32
      %add3A_115 = vector.broadcast %add3A_114 : i32 to vector<16xi32>
      %add3A_116 = arith.addi %iota3A, %add3A_115 : vector<16xi32>
      tpu.vector_store_idx %arg7[%get3A_112], %add3A_116 : memref<1968xi32, #tpu.memory_space<vmem>>[vector<16xi32>], vector<16xi32>,
      %max3A_117 = arith.maximumf %gather3A_92, %gather3A_99 : vector<16xf32>
      %max3A_118 = arith.maximumf %gather3A_106, %gather3A_113 : vector<16xf32>
      %max3A_119 = arith.maximumf %max3A_117, %max3A_118 : vector<16xf32>
      %reduce_max3A_120 = arith.constant true
      %reduce_max3A_121 = vector.broadcast %reduce_max3A_120 : i1 to vector<16xi1>
      %reduce_max3A_122 = tpu.scan <max>, %max3A_119 masked %reduce_max3A_121 : vector<16xf32>, vector<16xi1> -> vector<16xf32>
      %reduce_max3A_123 = vector.extract %reduce_max3A_122[15] : f32 from vector<16xf32>
      %broadcast_in_dim3A_124 = vector.broadcast %reduce_max3A_123 : f32 to vector<16xf32>
      %gather3A_125 = tpu.vector_load_idx %arg7[%get3A_91] : memref<1968xi32, #tpu.memory_space<vmem>>[vector<16xi32>], vector<16xi32>,
      %add3A_126 = arith.constant 0 : i32
      %add3A_127 = vector.broadcast %add3A_126 : i32 to vector<16xi32>
      %add3A_128 = arith.addi %iota3A, %add3A_127 : vector<16xi32>
      %eq3A_129 = arith.cmpi eq, %gather3A_125, %add3A_128 : vector<16xi32>
      %sub3A_130 = arith.subf %gather3A_92, %broadcast_in_dim3A_124 : vector<16xf32>
      %jit3A_131 = arith.constant -1.000000e+30 : f32
      %broadcast_in_dim3A_132 = vector.broadcast %jit3A_131 : f32 to vector<16xf32>
      %select_n3A_133 = arith.select %eq3A_129, %sub3A_130, %broadcast_in_dim3A_132 : vector<16xi1>, vector<16xf32>
      %swap3A_134 = arith.index_cast %add3A_88 : i32 to index
      %swap3A_135 = arith.constant 64 : index
      %swap3A_136 = tpu.vector_load %arg15[%swap3A_134, %swap3A_135] {strides = array<i32>} : memref<256x128xf32, #tpu.memory_space<vmem>>, vector<16xf32>,
      tpu.vector_store %arg15[%swap3A_134, %swap3A_135], %select_n3A_133 {strides = array<i32>} : memref<256x128xf32, #tpu.memory_space<vmem>>, vector<16xf32>,
      %gather3A_137 = tpu.vector_load_idx %arg7[%get3A_98] : memref<1968xi32, #tpu.memory_space<vmem>>[vector<16xi32>], vector<16xi32>,
      %add3A_138 = arith.constant 16 : i32
      %add3A_139 = vector.broadcast %add3A_138 : i32 to vector<16xi32>
      %add3A_140 = arith.addi %iota3A, %add3A_139 : vector<16xi32>
      %eq3A_141 = arith.cmpi eq, %gather3A_137, %add3A_140 : vector<16xi32>
      %sub3A_142 = arith.subf %gather3A_99, %broadcast_in_dim3A_124 : vector<16xf32>
      %jit3A_143 = arith.constant -1.000000e+30 : f32
      %broadcast_in_dim3A_144 = vector.broadcast %jit3A_143 : f32 to vector<16xf32>
      %select_n3A_145 = arith.select %eq3A_141, %sub3A_142, %broadcast_in_dim3A_144 : vector<16xi1>, vector<16xf32>
      %swap3A_146 = arith.index_cast %add3A_88 : i32 to index
      %swap3A_147 = arith.constant 80 : index
      %swap3A_148 = tpu.vector_load %arg15[%swap3A_146, %swap3A_147] {strides = array<i32>} : memref<256x128xf32, #tpu.memory_space<vmem>>, vector<16xf32>,
      tpu.vector_store %arg15[%swap3A_146, %swap3A_147], %select_n3A_145 {strides = array<i32>} : memref<256x128xf32, #tpu.memory_space<vmem>>, vector<16xf32>,
      %gather3A_149 = tpu.vector_load_idx %arg7[%get3A_105] : memref<1968xi32, #tpu.memory_space<vmem>>[vector<16xi32>], vector<16xi32>,
      %add3A_150 = arith.constant 32 : i32
      %add3A_151 = vector.broadcast %add3A_150 : i32 to vector<16xi32>
      %add3A_152 = arith.addi %iota3A, %add3A_151 : vector<16xi32>
      %eq3A_153 = arith.cmpi eq, %gather3A_149, %add3A_152 : vector<16xi32>
      %sub3A_154 = arith.subf %gather3A_106, %broadcast_in_dim3A_124 : vector<16xf32>
      %jit3A_155 = arith.constant -1.000000e+30 : f32
      %broadcast_in_dim3A_156 = vector.broadcast %jit3A_155 : f32 to vector<16xf32>
      %select_n3A_157 = arith.select %eq3A_153, %sub3A_154, %broadcast_in_dim3A_156 : vector<16xi1>, vector<16xf32>
      %swap3A_158 = arith.index_cast %add3A_88 : i32 to index
      %swap3A_159 = arith.constant 96 : index
      %swap3A_160 = tpu.vector_load %arg15[%swap3A_158, %swap3A_159] {strides = array<i32>} : memref<256x128xf32, #tpu.memory_space<vmem>>, vector<16xf32>,
      tpu.vector_store %arg15[%swap3A_158, %swap3A_159], %select_n3A_157 {strides = array<i32>} : memref<256x128xf32, #tpu.memory_space<vmem>>, vector<16xf32>,
      %gather3A_161 = tpu.vector_load_idx %arg7[%get3A_112] : memref<1968xi32, #tpu.memory_space<vmem>>[vector<16xi32>], vector<16xi32>,
      %add3A_162 = arith.constant 48 : i32
      %add3A_163 = vector.broadcast %add3A_162 : i32 to vector<16xi32>
      %add3A_164 = arith.addi %iota3A, %add3A_163 : vector<16xi32>
      %eq3A_165 = arith.cmpi eq, %gather3A_161, %add3A_164 : vector<16xi32>
      %sub3A_166 = arith.subf %gather3A_113, %broadcast_in_dim3A_124 : vector<16xf32>
      %jit3A_167 = arith.constant -1.000000e+30 : f32
      %broadcast_in_dim3A_168 = vector.broadcast %jit3A_167 : f32 to vector<16xf32>
      %select_n3A_169 = arith.select %eq3A_165, %sub3A_166, %broadcast_in_dim3A_168 : vector<16xi1>, vector<16xf32>
      %swap3A_170 = arith.index_cast %add3A_88 : i32 to index
      %swap3A_171 = arith.constant 112 : index
      %swap3A_172 = tpu.vector_load %arg15[%swap3A_170, %swap3A_171] {strides = array<i32>} : memref<256x128xf32, #tpu.memory_space<vmem>>, vector<16xf32>,
      tpu.vector_store %arg15[%swap3A_170, %swap3A_171], %select_n3A_169 {strides = array<i32>} : memref<256x128xf32, #tpu.memory_space<vmem>>, vector<16xf32>,
      %add3A_173 = arith.constant 1 : i32
      %add3A_174 = arith.addi %multiple_of3A, %add3A_173 : i32
      %get3A_175 = arith.index_cast %add3A_174 : i32 to index
      %get3A_176 = arith.constant 0 : index
      %get3A_177 = tpu.vector_load %arg14[%get3A_175, %get3A_176] {strides = array<i32>} : memref<256x128xi32, #tpu.memory_space<vmem>>, vector<16xi32>,
      %gather3A_178 = tpu.vector_load_idx %arg5[%get3A_177] : memref<1968xf32, #tpu.memory_space<vmem>>[vector<16xi32>], vector<16xf32>,
      %add3A_179 = arith.constant 0 : i32
      %add3A_180 = vector.broadcast %add3A_179 : i32 to vector<16xi32>
      %add3A_181 = arith.addi %iota3A, %add3A_180 : vector<16xi32>
      tpu.vector_store_idx %arg8[%get3A_177], %add3A_181 : memref<1968xi32, #tpu.memory_space<vmem>>[vector<16xi32>], vector<16xi32>,
      %get3A_182 = arith.index_cast %add3A_174 : i32 to index
      %get3A_183 = arith.constant 16 : index
      %get3A_184 = tpu.vector_load %arg14[%get3A_182, %get3A_183] {strides = array<i32>} : memref<256x128xi32, #tpu.memory_space<vmem>>, vector<16xi32>,
      %gather3A_185 = tpu.vector_load_idx %arg5[%get3A_184] : memref<1968xf32, #tpu.memory_space<vmem>>[vector<16xi32>], vector<16xf32>,
      %add3A_186 = arith.constant 16 : i32
      %add3A_187 = vector.broadcast %add3A_186 : i32 to vector<16xi32>
      %add3A_188 = arith.addi %iota3A, %add3A_187 : vector<16xi32>
      tpu.vector_store_idx %arg8[%get3A_184], %add3A_188 : memref<1968xi32, #tpu.memory_space<vmem>>[vector<16xi32>], vector<16xi32>,
      %get3A_189 = arith.index_cast %add3A_174 : i32 to index
      %get3A_190 = arith.constant 32 : index
      %get3A_191 = tpu.vector_load %arg14[%get3A_189, %get3A_190] {strides = array<i32>} : memref<256x128xi32, #tpu.memory_space<vmem>>, vector<16xi32>,
      %gather3A_192 = tpu.vector_load_idx %arg5[%get3A_191] : memref<1968xf32, #tpu.memory_space<vmem>>[vector<16xi32>], vector<16xf32>,
      %add3A_193 = arith.constant 32 : i32
      %add3A_194 = vector.broadcast %add3A_193 : i32 to vector<16xi32>
      %add3A_195 = arith.addi %iota3A, %add3A_194 : vector<16xi32>
      tpu.vector_store_idx %arg8[%get3A_191], %add3A_195 : memref<1968xi32, #tpu.memory_space<vmem>>[vector<16xi32>], vector<16xi32>,
      %get3A_196 = arith.index_cast %add3A_174 : i32 to index
      %get3A_197 = arith.constant 48 : index
      %get3A_198 = tpu.vector_load %arg14[%get3A_196, %get3A_197] {strides = array<i32>} : memref<256x128xi32, #tpu.memory_space<vmem>>, vector<16xi32>,
      %gather3A_199 = tpu.vector_load_idx %arg5[%get3A_198] : memref<1968xf32, #tpu.memory_space<vmem>>[vector<16xi32>], vector<16xf32>,
      %add3A_200 = arith.constant 48 : i32
      %add3A_201 = vector.broadcast %add3A_200 : i32 to vector<16xi32>
      %add3A_202 = arith.addi %iota3A, %add3A_201 : vector<16xi32>
      tpu.vector_store_idx %arg8[%get3A_198], %add3A_202 : memref<1968xi32, #tpu.memory_space<vmem>>[vector<16xi32>], vector<16xi32>,
      %max3A_203 = arith.maximumf %gather3A_178, %gather3A_185 : vector<16xf32>
      %max3A_204 = arith.maximumf %gather3A_192, %gather3A_199 : vector<16xf32>
      %max3A_205 = arith.maximumf %max3A_203, %max3A_204 : vector<16xf32>
      %reduce_max3A_206 = arith.constant true
      %reduce_max3A_207 = vector.broadcast %reduce_max3A_206 : i1 to vector<16xi1>
      %reduce_max3A_208 = tpu.scan <max>, %max3A_205 masked %reduce_max3A_207 : vector<16xf32>, vector<16xi1> -> vector<16xf32>
      %reduce_max3A_209 = vector.extract %reduce_max3A_208[15] : f32 from vector<16xf32>
      %broadcast_in_dim3A_210 = vector.broadcast %reduce_max3A_209 : f32 to vector<16xf32>
      %gather3A_211 = tpu.vector_load_idx %arg8[%get3A_177] : memref<1968xi32, #tpu.memory_space<vmem>>[vector<16xi32>], vector<16xi32>,
      %add3A_212 = arith.constant 0 : i32
      %add3A_213 = vector.broadcast %add3A_212 : i32 to vector<16xi32>
      %add3A_214 = arith.addi %iota3A, %add3A_213 : vector<16xi32>
      %eq3A_215 = arith.cmpi eq, %gather3A_211, %add3A_214 : vector<16xi32>
      %sub3A_216 = arith.subf %gather3A_178, %broadcast_in_dim3A_210 : vector<16xf32>
      %jit3A_217 = arith.constant -1.000000e+30 : f32
      %broadcast_in_dim3A_218 = vector.broadcast %jit3A_217 : f32 to vector<16xf32>
      %select_n3A_219 = arith.select %eq3A_215, %sub3A_216, %broadcast_in_dim3A_218 : vector<16xi1>, vector<16xf32>
      %swap3A_220 = arith.index_cast %add3A_174 : i32 to index
      %swap3A_221 = arith.constant 0 : index
      %swap3A_222 = tpu.vector_load %arg15[%swap3A_220, %swap3A_221] {strides = array<i32>} : memref<256x128xf32, #tpu.memory_space<vmem>>, vector<16xf32>,
      tpu.vector_store %arg15[%swap3A_220, %swap3A_221], %select_n3A_219 {strides = array<i32>} : memref<256x128xf32, #tpu.memory_space<vmem>>, vector<16xf32>,
      %gather3A_223 = tpu.vector_load_idx %arg8[%get3A_184] : memref<1968xi32, #tpu.memory_space<vmem>>[vector<16xi32>], vector<16xi32>,
      %add3A_224 = arith.constant 16 : i32
      %add3A_225 = vector.broadcast %add3A_224 : i32 to vector<16xi32>
      %add3A_226 = arith.addi %iota3A, %add3A_225 : vector<16xi32>
      %eq3A_227 = arith.cmpi eq, %gather3A_223, %add3A_226 : vector<16xi32>
      %sub3A_228 = arith.subf %gather3A_185, %broadcast_in_dim3A_210 : vector<16xf32>
      %jit3A_229 = arith.constant -1.000000e+30 : f32
      %broadcast_in_dim3A_230 = vector.broadcast %jit3A_229 : f32 to vector<16xf32>
      %select_n3A_231 = arith.select %eq3A_227, %sub3A_228, %broadcast_in_dim3A_230 : vector<16xi1>, vector<16xf32>
      %swap3A_232 = arith.index_cast %add3A_174 : i32 to index
      %swap3A_233 = arith.constant 16 : index
      %swap3A_234 = tpu.vector_load %arg15[%swap3A_232, %swap3A_233] {strides = array<i32>} : memref<256x128xf32, #tpu.memory_space<vmem>>, vector<16xf32>,
      tpu.vector_store %arg15[%swap3A_232, %swap3A_233], %select_n3A_231 {strides = array<i32>} : memref<256x128xf32, #tpu.memory_space<vmem>>, vector<16xf32>,
      %gather3A_235 = tpu.vector_load_idx %arg8[%get3A_191] : memref<1968xi32, #tpu.memory_space<vmem>>[vector<16xi32>], vector<16xi32>,
      %add3A_236 = arith.constant 32 : i32
      %add3A_237 = vector.broadcast %add3A_236 : i32 to vector<16xi32>
      %add3A_238 = arith.addi %iota3A, %add3A_237 : vector<16xi32>
      %eq3A_239 = arith.cmpi eq, %gather3A_235, %add3A_238 : vector<16xi32>
      %sub3A_240 = arith.subf %gather3A_192, %broadcast_in_dim3A_210 : vector<16xf32>
      %jit3A_241 = arith.constant -1.000000e+30 : f32
      %broadcast_in_dim3A_242 = vector.broadcast %jit3A_241 : f32 to vector<16xf32>
      %select_n3A_243 = arith.select %eq3A_239, %sub3A_240, %broadcast_in_dim3A_242 : vector<16xi1>, vector<16xf32>
      %swap3A_244 = arith.index_cast %add3A_174 : i32 to index
      %swap3A_245 = arith.constant 32 : index
      %swap3A_246 = tpu.vector_load %arg15[%swap3A_244, %swap3A_245] {strides = array<i32>} : memref<256x128xf32, #tpu.memory_space<vmem>>, vector<16xf32>,
      tpu.vector_store %arg15[%swap3A_244, %swap3A_245], %select_n3A_243 {strides = array<i32>} : memref<256x128xf32, #tpu.memory_space<vmem>>, vector<16xf32>,
      %gather3A_247 = tpu.vector_load_idx %arg8[%get3A_198] : memref<1968xi32, #tpu.memory_space<vmem>>[vector<16xi32>], vector<16xi32>,
      %add3A_248 = arith.constant 48 : i32
      %add3A_249 = vector.broadcast %add3A_248 : i32 to vector<16xi32>
      %add3A_250 = arith.addi %iota3A, %add3A_249 : vector<16xi32>
      %eq3A_251 = arith.cmpi eq, %gather3A_247, %add3A_250 : vector<16xi32>
      %sub3A_252 = arith.subf %gather3A_199, %broadcast_in_dim3A_210 : vector<16xf32>
      %jit3A_253 = arith.constant -1.000000e+30 : f32
      %broadcast_in_dim3A_254 = vector.broadcast %jit3A_253 : f32 to vector<16xf32>
      %select_n3A_255 = arith.select %eq3A_251, %sub3A_252, %broadcast_in_dim3A_254 : vector<16xi1>, vector<16xf32>
      %swap3A_256 = arith.index_cast %add3A_174 : i32 to index
      %swap3A_257 = arith.constant 48 : index
      %swap3A_258 = tpu.vector_load %arg15[%swap3A_256, %swap3A_257] {strides = array<i32>} : memref<256x128xf32, #tpu.memory_space<vmem>>, vector<16xf32>,
      tpu.vector_store %arg15[%swap3A_256, %swap3A_257], %select_n3A_255 {strides = array<i32>} : memref<256x128xf32, #tpu.memory_space<vmem>>, vector<16xf32>,
      %add3A_259 = arith.constant 1 : i32
      %add3A_260 = arith.addi %multiple_of3A, %add3A_259 : i32
      %get3A_261 = arith.index_cast %add3A_260 : i32 to index
      %get3A_262 = arith.constant 64 : index
      %get3A_263 = tpu.vector_load %arg14[%get3A_261, %get3A_262] {strides = array<i32>} : memref<256x128xi32, #tpu.memory_space<vmem>>, vector<16xi32>,
      %gather3A_264 = tpu.vector_load_idx %arg5[%get3A_263] : memref<1968xf32, #tpu.memory_space<vmem>>[vector<16xi32>], vector<16xf32>,
      %add3A_265 = arith.constant 0 : i32
      %add3A_266 = vector.broadcast %add3A_265 : i32 to vector<16xi32>
      %add3A_267 = arith.addi %iota3A, %add3A_266 : vector<16xi32>
      tpu.vector_store_idx %arg9[%get3A_263], %add3A_267 : memref<1968xi32, #tpu.memory_space<vmem>>[vector<16xi32>], vector<16xi32>,
      %get3A_268 = arith.index_cast %add3A_260 : i32 to index
      %get3A_269 = arith.constant 80 : index
      %get3A_270 = tpu.vector_load %arg14[%get3A_268, %get3A_269] {strides = array<i32>} : memref<256x128xi32, #tpu.memory_space<vmem>>, vector<16xi32>,
      %gather3A_271 = tpu.vector_load_idx %arg5[%get3A_270] : memref<1968xf32, #tpu.memory_space<vmem>>[vector<16xi32>], vector<16xf32>,
      %add3A_272 = arith.constant 16 : i32
      %add3A_273 = vector.broadcast %add3A_272 : i32 to vector<16xi32>
      %add3A_274 = arith.addi %iota3A, %add3A_273 : vector<16xi32>
      tpu.vector_store_idx %arg9[%get3A_270], %add3A_274 : memref<1968xi32, #tpu.memory_space<vmem>>[vector<16xi32>], vector<16xi32>,
      %get3A_275 = arith.index_cast %add3A_260 : i32 to index
      %get3A_276 = arith.constant 96 : index
      %get3A_277 = tpu.vector_load %arg14[%get3A_275, %get3A_276] {strides = array<i32>} : memref<256x128xi32, #tpu.memory_space<vmem>>, vector<16xi32>,
      %gather3A_278 = tpu.vector_load_idx %arg5[%get3A_277] : memref<1968xf32, #tpu.memory_space<vmem>>[vector<16xi32>], vector<16xf32>,
      %add3A_279 = arith.constant 32 : i32
      %add3A_280 = vector.broadcast %add3A_279 : i32 to vector<16xi32>
      %add3A_281 = arith.addi %iota3A, %add3A_280 : vector<16xi32>
      tpu.vector_store_idx %arg9[%get3A_277], %add3A_281 : memref<1968xi32, #tpu.memory_space<vmem>>[vector<16xi32>], vector<16xi32>,
      %get3A_282 = arith.index_cast %add3A_260 : i32 to index
      %get3A_283 = arith.constant 112 : index
      %get3A_284 = tpu.vector_load %arg14[%get3A_282, %get3A_283] {strides = array<i32>} : memref<256x128xi32, #tpu.memory_space<vmem>>, vector<16xi32>,
      %gather3A_285 = tpu.vector_load_idx %arg5[%get3A_284] : memref<1968xf32, #tpu.memory_space<vmem>>[vector<16xi32>], vector<16xf32>,
      %add3A_286 = arith.constant 48 : i32
      %add3A_287 = vector.broadcast %add3A_286 : i32 to vector<16xi32>
      %add3A_288 = arith.addi %iota3A, %add3A_287 : vector<16xi32>
      tpu.vector_store_idx %arg9[%get3A_284], %add3A_288 : memref<1968xi32, #tpu.memory_space<vmem>>[vector<16xi32>], vector<16xi32>,
      %max3A_289 = arith.maximumf %gather3A_264, %gather3A_271 : vector<16xf32>
      %max3A_290 = arith.maximumf %gather3A_278, %gather3A_285 : vector<16xf32>
      %max3A_291 = arith.maximumf %max3A_289, %max3A_290 : vector<16xf32>
      %reduce_max3A_292 = arith.constant true
      %reduce_max3A_293 = vector.broadcast %reduce_max3A_292 : i1 to vector<16xi1>
      %reduce_max3A_294 = tpu.scan <max>, %max3A_291 masked %reduce_max3A_293 : vector<16xf32>, vector<16xi1> -> vector<16xf32>
      %reduce_max3A_295 = vector.extract %reduce_max3A_294[15] : f32 from vector<16xf32>
      %broadcast_in_dim3A_296 = vector.broadcast %reduce_max3A_295 : f32 to vector<16xf32>
      %gather3A_297 = tpu.vector_load_idx %arg9[%get3A_263] : memref<1968xi32, #tpu.memory_space<vmem>>[vector<16xi32>], vector<16xi32>,
      %add3A_298 = arith.constant 0 : i32
      %add3A_299 = vector.broadcast %add3A_298 : i32 to vector<16xi32>
      %add3A_300 = arith.addi %iota3A, %add3A_299 : vector<16xi32>
      %eq3A_301 = arith.cmpi eq, %gather3A_297, %add3A_300 : vector<16xi32>
      %sub3A_302 = arith.subf %gather3A_264, %broadcast_in_dim3A_296 : vector<16xf32>
      %jit3A_303 = arith.constant -1.000000e+30 : f32
      %broadcast_in_dim3A_304 = vector.broadcast %jit3A_303 : f32 to vector<16xf32>
      %select_n3A_305 = arith.select %eq3A_301, %sub3A_302, %broadcast_in_dim3A_304 : vector<16xi1>, vector<16xf32>
      %swap3A_306 = arith.index_cast %add3A_260 : i32 to index
      %swap3A_307 = arith.constant 64 : index
      %swap3A_308 = tpu.vector_load %arg15[%swap3A_306, %swap3A_307] {strides = array<i32>} : memref<256x128xf32, #tpu.memory_space<vmem>>, vector<16xf32>,
      tpu.vector_store %arg15[%swap3A_306, %swap3A_307], %select_n3A_305 {strides = array<i32>} : memref<256x128xf32, #tpu.memory_space<vmem>>, vector<16xf32>,
      %gather3A_309 = tpu.vector_load_idx %arg9[%get3A_270] : memref<1968xi32, #tpu.memory_space<vmem>>[vector<16xi32>], vector<16xi32>,
      %add3A_310 = arith.constant 16 : i32
      %add3A_311 = vector.broadcast %add3A_310 : i32 to vector<16xi32>
      %add3A_312 = arith.addi %iota3A, %add3A_311 : vector<16xi32>
      %eq3A_313 = arith.cmpi eq, %gather3A_309, %add3A_312 : vector<16xi32>
      %sub3A_314 = arith.subf %gather3A_271, %broadcast_in_dim3A_296 : vector<16xf32>
      %jit3A_315 = arith.constant -1.000000e+30 : f32
      %broadcast_in_dim3A_316 = vector.broadcast %jit3A_315 : f32 to vector<16xf32>
      %select_n3A_317 = arith.select %eq3A_313, %sub3A_314, %broadcast_in_dim3A_316 : vector<16xi1>, vector<16xf32>
      %swap3A_318 = arith.index_cast %add3A_260 : i32 to index
      %swap3A_319 = arith.constant 80 : index
      %swap3A_320 = tpu.vector_load %arg15[%swap3A_318, %swap3A_319] {strides = array<i32>} : memref<256x128xf32, #tpu.memory_space<vmem>>, vector<16xf32>,
      tpu.vector_store %arg15[%swap3A_318, %swap3A_319], %select_n3A_317 {strides = array<i32>} : memref<256x128xf32, #tpu.memory_space<vmem>>, vector<16xf32>,
      %gather3A_321 = tpu.vector_load_idx %arg9[%get3A_277] : memref<1968xi32, #tpu.memory_space<vmem>>[vector<16xi32>], vector<16xi32>,
      %add3A_322 = arith.constant 32 : i32
      %add3A_323 = vector.broadcast %add3A_322 : i32 to vector<16xi32>
      %add3A_324 = arith.addi %iota3A, %add3A_323 : vector<16xi32>
      %eq3A_325 = arith.cmpi eq, %gather3A_321, %add3A_324 : vector<16xi32>
      %sub3A_326 = arith.subf %gather3A_278, %broadcast_in_dim3A_296 : vector<16xf32>
      %jit3A_327 = arith.constant -1.000000e+30 : f32
      %broadcast_in_dim3A_328 = vector.broadcast %jit3A_327 : f32 to vector<16xf32>
      %select_n3A_329 = arith.select %eq3A_325, %sub3A_326, %broadcast_in_dim3A_328 : vector<16xi1>, vector<16xf32>
      %swap3A_330 = arith.index_cast %add3A_260 : i32 to index
      %swap3A_331 = arith.constant 96 : index
      %swap3A_332 = tpu.vector_load %arg15[%swap3A_330, %swap3A_331] {strides = array<i32>} : memref<256x128xf32, #tpu.memory_space<vmem>>, vector<16xf32>,
      tpu.vector_store %arg15[%swap3A_330, %swap3A_331], %select_n3A_329 {strides = array<i32>} : memref<256x128xf32, #tpu.memory_space<vmem>>, vector<16xf32>,
      %gather3A_333 = tpu.vector_load_idx %arg9[%get3A_284] : memref<1968xi32, #tpu.memory_space<vmem>>[vector<16xi32>], vector<16xi32>,
      %add3A_334 = arith.constant 48 : i32
      %add3A_335 = vector.broadcast %add3A_334 : i32 to vector<16xi32>
      %add3A_336 = arith.addi %iota3A, %add3A_335 : vector<16xi32>
      %eq3A_337 = arith.cmpi eq, %gather3A_333, %add3A_336 : vector<16xi32>
      %sub3A_338 = arith.subf %gather3A_285, %broadcast_in_dim3A_296 : vector<16xf32>
      %jit3A_339 = arith.constant -1.000000e+30 : f32
      %broadcast_in_dim3A_340 = vector.broadcast %jit3A_339 : f32 to vector<16xf32>
      %select_n3A_341 = arith.select %eq3A_337, %sub3A_338, %broadcast_in_dim3A_340 : vector<16xi1>, vector<16xf32>
      %swap3A_342 = arith.index_cast %add3A_260 : i32 to index
      %swap3A_343 = arith.constant 112 : index
      %swap3A_344 = tpu.vector_load %arg15[%swap3A_342, %swap3A_343] {strides = array<i32>} : memref<256x128xf32, #tpu.memory_space<vmem>>, vector<16xf32>,
      tpu.vector_store %arg15[%swap3A_342, %swap3A_343], %select_n3A_341 {strides = array<i32>} : memref<256x128xf32, #tpu.memory_space<vmem>>, vector<16xf32>,
      %add3A_345 = arith.constant 2 : i32
      %add3A_346 = arith.addi %multiple_of3A, %add3A_345 : i32
      %get3A_347 = arith.index_cast %add3A_346 : i32 to index
      %get3A_348 = arith.constant 0 : index
      %get3A_349 = tpu.vector_load %arg14[%get3A_347, %get3A_348] {strides = array<i32>} : memref<256x128xi32, #tpu.memory_space<vmem>>, vector<16xi32>,
      %gather3A_350 = tpu.vector_load_idx %arg5[%get3A_349] : memref<1968xf32, #tpu.memory_space<vmem>>[vector<16xi32>], vector<16xf32>,
      %add3A_351 = arith.constant 0 : i32
      %add3A_352 = vector.broadcast %add3A_351 : i32 to vector<16xi32>
      %add3A_353 = arith.addi %iota3A, %add3A_352 : vector<16xi32>
      tpu.vector_store_idx %arg10[%get3A_349], %add3A_353 : memref<1968xi32, #tpu.memory_space<vmem>>[vector<16xi32>], vector<16xi32>,
      %get3A_354 = arith.index_cast %add3A_346 : i32 to index
      %get3A_355 = arith.constant 16 : index
      %get3A_356 = tpu.vector_load %arg14[%get3A_354, %get3A_355] {strides = array<i32>} : memref<256x128xi32, #tpu.memory_space<vmem>>, vector<16xi32>,
      %gather3A_357 = tpu.vector_load_idx %arg5[%get3A_356] : memref<1968xf32, #tpu.memory_space<vmem>>[vector<16xi32>], vector<16xf32>,
      %add3A_358 = arith.constant 16 : i32
      %add3A_359 = vector.broadcast %add3A_358 : i32 to vector<16xi32>
      %add3A_360 = arith.addi %iota3A, %add3A_359 : vector<16xi32>
      tpu.vector_store_idx %arg10[%get3A_356], %add3A_360 : memref<1968xi32, #tpu.memory_space<vmem>>[vector<16xi32>], vector<16xi32>,
      %get3A_361 = arith.index_cast %add3A_346 : i32 to index
      %get3A_362 = arith.constant 32 : index
      %get3A_363 = tpu.vector_load %arg14[%get3A_361, %get3A_362] {strides = array<i32>} : memref<256x128xi32, #tpu.memory_space<vmem>>, vector<16xi32>,
      %gather3A_364 = tpu.vector_load_idx %arg5[%get3A_363] : memref<1968xf32, #tpu.memory_space<vmem>>[vector<16xi32>], vector<16xf32>,
      %add3A_365 = arith.constant 32 : i32
      %add3A_366 = vector.broadcast %add3A_365 : i32 to vector<16xi32>
      %add3A_367 = arith.addi %iota3A, %add3A_366 : vector<16xi32>
      tpu.vector_store_idx %arg10[%get3A_363], %add3A_367 : memref<1968xi32, #tpu.memory_space<vmem>>[vector<16xi32>], vector<16xi32>,
      %get3A_368 = arith.index_cast %add3A_346 : i32 to index
      %get3A_369 = arith.constant 48 : index
      %get3A_370 = tpu.vector_load %arg14[%get3A_368, %get3A_369] {strides = array<i32>} : memref<256x128xi32, #tpu.memory_space<vmem>>, vector<16xi32>,
      %gather3A_371 = tpu.vector_load_idx %arg5[%get3A_370] : memref<1968xf32, #tpu.memory_space<vmem>>[vector<16xi32>], vector<16xf32>,
      %add3A_372 = arith.constant 48 : i32
      %add3A_373 = vector.broadcast %add3A_372 : i32 to vector<16xi32>
      %add3A_374 = arith.addi %iota3A, %add3A_373 : vector<16xi32>
      tpu.vector_store_idx %arg10[%get3A_370], %add3A_374 : memref<1968xi32, #tpu.memory_space<vmem>>[vector<16xi32>], vector<16xi32>,
      %max3A_375 = arith.maximumf %gather3A_350, %gather3A_357 : vector<16xf32>
      %max3A_376 = arith.maximumf %gather3A_364, %gather3A_371 : vector<16xf32>
      %max3A_377 = arith.maximumf %max3A_375, %max3A_376 : vector<16xf32>
      %reduce_max3A_378 = arith.constant true
      %reduce_max3A_379 = vector.broadcast %reduce_max3A_378 : i1 to vector<16xi1>
      %reduce_max3A_380 = tpu.scan <max>, %max3A_377 masked %reduce_max3A_379 : vector<16xf32>, vector<16xi1> -> vector<16xf32>
      %reduce_max3A_381 = vector.extract %reduce_max3A_380[15] : f32 from vector<16xf32>
      %broadcast_in_dim3A_382 = vector.broadcast %reduce_max3A_381 : f32 to vector<16xf32>
      %gather3A_383 = tpu.vector_load_idx %arg10[%get3A_349] : memref<1968xi32, #tpu.memory_space<vmem>>[vector<16xi32>], vector<16xi32>,
      %add3A_384 = arith.constant 0 : i32
      %add3A_385 = vector.broadcast %add3A_384 : i32 to vector<16xi32>
      %add3A_386 = arith.addi %iota3A, %add3A_385 : vector<16xi32>
      %eq3A_387 = arith.cmpi eq, %gather3A_383, %add3A_386 : vector<16xi32>
      %sub3A_388 = arith.subf %gather3A_350, %broadcast_in_dim3A_382 : vector<16xf32>
      %jit3A_389 = arith.constant -1.000000e+30 : f32
      %broadcast_in_dim3A_390 = vector.broadcast %jit3A_389 : f32 to vector<16xf32>
      %select_n3A_391 = arith.select %eq3A_387, %sub3A_388, %broadcast_in_dim3A_390 : vector<16xi1>, vector<16xf32>
      %swap3A_392 = arith.index_cast %add3A_346 : i32 to index
      %swap3A_393 = arith.constant 0 : index
      %swap3A_394 = tpu.vector_load %arg15[%swap3A_392, %swap3A_393] {strides = array<i32>} : memref<256x128xf32, #tpu.memory_space<vmem>>, vector<16xf32>,
      tpu.vector_store %arg15[%swap3A_392, %swap3A_393], %select_n3A_391 {strides = array<i32>} : memref<256x128xf32, #tpu.memory_space<vmem>>, vector<16xf32>,
      %gather3A_395 = tpu.vector_load_idx %arg10[%get3A_356] : memref<1968xi32, #tpu.memory_space<vmem>>[vector<16xi32>], vector<16xi32>,
      %add3A_396 = arith.constant 16 : i32
      %add3A_397 = vector.broadcast %add3A_396 : i32 to vector<16xi32>
      %add3A_398 = arith.addi %iota3A, %add3A_397 : vector<16xi32>
      %eq3A_399 = arith.cmpi eq, %gather3A_395, %add3A_398 : vector<16xi32>
      %sub3A_400 = arith.subf %gather3A_357, %broadcast_in_dim3A_382 : vector<16xf32>
      %jit3A_401 = arith.constant -1.000000e+30 : f32
      %broadcast_in_dim3A_402 = vector.broadcast %jit3A_401 : f32 to vector<16xf32>
      %select_n3A_403 = arith.select %eq3A_399, %sub3A_400, %broadcast_in_dim3A_402 : vector<16xi1>, vector<16xf32>
      %swap3A_404 = arith.index_cast %add3A_346 : i32 to index
      %swap3A_405 = arith.constant 16 : index
      %swap3A_406 = tpu.vector_load %arg15[%swap3A_404, %swap3A_405] {strides = array<i32>} : memref<256x128xf32, #tpu.memory_space<vmem>>, vector<16xf32>,
      tpu.vector_store %arg15[%swap3A_404, %swap3A_405], %select_n3A_403 {strides = array<i32>} : memref<256x128xf32, #tpu.memory_space<vmem>>, vector<16xf32>,
      %gather3A_407 = tpu.vector_load_idx %arg10[%get3A_363] : memref<1968xi32, #tpu.memory_space<vmem>>[vector<16xi32>], vector<16xi32>,
      %add3A_408 = arith.constant 32 : i32
      %add3A_409 = vector.broadcast %add3A_408 : i32 to vector<16xi32>
      %add3A_410 = arith.addi %iota3A, %add3A_409 : vector<16xi32>
      %eq3A_411 = arith.cmpi eq, %gather3A_407, %add3A_410 : vector<16xi32>
      %sub3A_412 = arith.subf %gather3A_364, %broadcast_in_dim3A_382 : vector<16xf32>
      %jit3A_413 = arith.constant -1.000000e+30 : f32
      %broadcast_in_dim3A_414 = vector.broadcast %jit3A_413 : f32 to vector<16xf32>
      %select_n3A_415 = arith.select %eq3A_411, %sub3A_412, %broadcast_in_dim3A_414 : vector<16xi1>, vector<16xf32>
      %swap3A_416 = arith.index_cast %add3A_346 : i32 to index
      %swap3A_417 = arith.constant 32 : index
      %swap3A_418 = tpu.vector_load %arg15[%swap3A_416, %swap3A_417] {strides = array<i32>} : memref<256x128xf32, #tpu.memory_space<vmem>>, vector<16xf32>,
      tpu.vector_store %arg15[%swap3A_416, %swap3A_417], %select_n3A_415 {strides = array<i32>} : memref<256x128xf32, #tpu.memory_space<vmem>>, vector<16xf32>,
      %gather3A_419 = tpu.vector_load_idx %arg10[%get3A_370] : memref<1968xi32, #tpu.memory_space<vmem>>[vector<16xi32>], vector<16xi32>,
      %add3A_420 = arith.constant 48 : i32
      %add3A_421 = vector.broadcast %add3A_420 : i32 to vector<16xi32>
      %add3A_422 = arith.addi %iota3A, %add3A_421 : vector<16xi32>
      %eq3A_423 = arith.cmpi eq, %gather3A_419, %add3A_422 : vector<16xi32>
      %sub3A_424 = arith.subf %gather3A_371, %broadcast_in_dim3A_382 : vector<16xf32>
      %jit3A_425 = arith.constant -1.000000e+30 : f32
      %broadcast_in_dim3A_426 = vector.broadcast %jit3A_425 : f32 to vector<16xf32>
      %select_n3A_427 = arith.select %eq3A_423, %sub3A_424, %broadcast_in_dim3A_426 : vector<16xi1>, vector<16xf32>
      %swap3A_428 = arith.index_cast %add3A_346 : i32 to index
      %swap3A_429 = arith.constant 48 : index
      %swap3A_430 = tpu.vector_load %arg15[%swap3A_428, %swap3A_429] {strides = array<i32>} : memref<256x128xf32, #tpu.memory_space<vmem>>, vector<16xf32>,
      tpu.vector_store %arg15[%swap3A_428, %swap3A_429], %select_n3A_427 {strides = array<i32>} : memref<256x128xf32, #tpu.memory_space<vmem>>, vector<16xf32>,
      %add3A_431 = arith.constant 2 : i32
      %add3A_432 = arith.addi %multiple_of3A, %add3A_431 : i32
      %get3A_433 = arith.index_cast %add3A_432 : i32 to index
      %get3A_434 = arith.constant 64 : index
      %get3A_435 = tpu.vector_load %arg14[%get3A_433, %get3A_434] {strides = array<i32>} : memref<256x128xi32, #tpu.memory_space<vmem>>, vector<16xi32>,
      %gather3A_436 = tpu.vector_load_idx %arg5[%get3A_435] : memref<1968xf32, #tpu.memory_space<vmem>>[vector<16xi32>], vector<16xf32>,
      %add3A_437 = arith.constant 0 : i32
      %add3A_438 = vector.broadcast %add3A_437 : i32 to vector<16xi32>
      %add3A_439 = arith.addi %iota3A, %add3A_438 : vector<16xi32>
      tpu.vector_store_idx %arg11[%get3A_435], %add3A_439 : memref<1968xi32, #tpu.memory_space<vmem>>[vector<16xi32>], vector<16xi32>,
      %get3A_440 = arith.index_cast %add3A_432 : i32 to index
      %get3A_441 = arith.constant 80 : index
      %get3A_442 = tpu.vector_load %arg14[%get3A_440, %get3A_441] {strides = array<i32>} : memref<256x128xi32, #tpu.memory_space<vmem>>, vector<16xi32>,
      %gather3A_443 = tpu.vector_load_idx %arg5[%get3A_442] : memref<1968xf32, #tpu.memory_space<vmem>>[vector<16xi32>], vector<16xf32>,
      %add3A_444 = arith.constant 16 : i32
      %add3A_445 = vector.broadcast %add3A_444 : i32 to vector<16xi32>
      %add3A_446 = arith.addi %iota3A, %add3A_445 : vector<16xi32>
      tpu.vector_store_idx %arg11[%get3A_442], %add3A_446 : memref<1968xi32, #tpu.memory_space<vmem>>[vector<16xi32>], vector<16xi32>,
      %get3A_447 = arith.index_cast %add3A_432 : i32 to index
      %get3A_448 = arith.constant 96 : index
      %get3A_449 = tpu.vector_load %arg14[%get3A_447, %get3A_448] {strides = array<i32>} : memref<256x128xi32, #tpu.memory_space<vmem>>, vector<16xi32>,
      %gather3A_450 = tpu.vector_load_idx %arg5[%get3A_449] : memref<1968xf32, #tpu.memory_space<vmem>>[vector<16xi32>], vector<16xf32>,
      %add3A_451 = arith.constant 32 : i32
      %add3A_452 = vector.broadcast %add3A_451 : i32 to vector<16xi32>
      %add3A_453 = arith.addi %iota3A, %add3A_452 : vector<16xi32>
      tpu.vector_store_idx %arg11[%get3A_449], %add3A_453 : memref<1968xi32, #tpu.memory_space<vmem>>[vector<16xi32>], vector<16xi32>,
      %get3A_454 = arith.index_cast %add3A_432 : i32 to index
      %get3A_455 = arith.constant 112 : index
      %get3A_456 = tpu.vector_load %arg14[%get3A_454, %get3A_455] {strides = array<i32>} : memref<256x128xi32, #tpu.memory_space<vmem>>, vector<16xi32>,
      %gather3A_457 = tpu.vector_load_idx %arg5[%get3A_456] : memref<1968xf32, #tpu.memory_space<vmem>>[vector<16xi32>], vector<16xf32>,
      %add3A_458 = arith.constant 48 : i32
      %add3A_459 = vector.broadcast %add3A_458 : i32 to vector<16xi32>
      %add3A_460 = arith.addi %iota3A, %add3A_459 : vector<16xi32>
      tpu.vector_store_idx %arg11[%get3A_456], %add3A_460 : memref<1968xi32, #tpu.memory_space<vmem>>[vector<16xi32>], vector<16xi32>,
      %max3A_461 = arith.maximumf %gather3A_436, %gather3A_443 : vector<16xf32>
      %max3A_462 = arith.maximumf %gather3A_450, %gather3A_457 : vector<16xf32>
      %max3A_463 = arith.maximumf %max3A_461, %max3A_462 : vector<16xf32>
      %reduce_max3A_464 = arith.constant true
      %reduce_max3A_465 = vector.broadcast %reduce_max3A_464 : i1 to vector<16xi1>
      %reduce_max3A_466 = tpu.scan <max>, %max3A_463 masked %reduce_max3A_465 : vector<16xf32>, vector<16xi1> -> vector<16xf32>
      %reduce_max3A_467 = vector.extract %reduce_max3A_466[15] : f32 from vector<16xf32>
      %broadcast_in_dim3A_468 = vector.broadcast %reduce_max3A_467 : f32 to vector<16xf32>
      %gather3A_469 = tpu.vector_load_idx %arg11[%get3A_435] : memref<1968xi32, #tpu.memory_space<vmem>>[vector<16xi32>], vector<16xi32>,
      %add3A_470 = arith.constant 0 : i32
      %add3A_471 = vector.broadcast %add3A_470 : i32 to vector<16xi32>
      %add3A_472 = arith.addi %iota3A, %add3A_471 : vector<16xi32>
      %eq3A_473 = arith.cmpi eq, %gather3A_469, %add3A_472 : vector<16xi32>
      %sub3A_474 = arith.subf %gather3A_436, %broadcast_in_dim3A_468 : vector<16xf32>
      %jit3A_475 = arith.constant -1.000000e+30 : f32
      %broadcast_in_dim3A_476 = vector.broadcast %jit3A_475 : f32 to vector<16xf32>
      %select_n3A_477 = arith.select %eq3A_473, %sub3A_474, %broadcast_in_dim3A_476 : vector<16xi1>, vector<16xf32>
      %swap3A_478 = arith.index_cast %add3A_432 : i32 to index
      %swap3A_479 = arith.constant 64 : index
      %swap3A_480 = tpu.vector_load %arg15[%swap3A_478, %swap3A_479] {strides = array<i32>} : memref<256x128xf32, #tpu.memory_space<vmem>>, vector<16xf32>,
      tpu.vector_store %arg15[%swap3A_478, %swap3A_479], %select_n3A_477 {strides = array<i32>} : memref<256x128xf32, #tpu.memory_space<vmem>>, vector<16xf32>,
      %gather3A_481 = tpu.vector_load_idx %arg11[%get3A_442] : memref<1968xi32, #tpu.memory_space<vmem>>[vector<16xi32>], vector<16xi32>,
      %add3A_482 = arith.constant 16 : i32
      %add3A_483 = vector.broadcast %add3A_482 : i32 to vector<16xi32>
      %add3A_484 = arith.addi %iota3A, %add3A_483 : vector<16xi32>
      %eq3A_485 = arith.cmpi eq, %gather3A_481, %add3A_484 : vector<16xi32>
      %sub3A_486 = arith.subf %gather3A_443, %broadcast_in_dim3A_468 : vector<16xf32>
      %jit3A_487 = arith.constant -1.000000e+30 : f32
      %broadcast_in_dim3A_488 = vector.broadcast %jit3A_487 : f32 to vector<16xf32>
      %select_n3A_489 = arith.select %eq3A_485, %sub3A_486, %broadcast_in_dim3A_488 : vector<16xi1>, vector<16xf32>
      %swap3A_490 = arith.index_cast %add3A_432 : i32 to index
      %swap3A_491 = arith.constant 80 : index
      %swap3A_492 = tpu.vector_load %arg15[%swap3A_490, %swap3A_491] {strides = array<i32>} : memref<256x128xf32, #tpu.memory_space<vmem>>, vector<16xf32>,
      tpu.vector_store %arg15[%swap3A_490, %swap3A_491], %select_n3A_489 {strides = array<i32>} : memref<256x128xf32, #tpu.memory_space<vmem>>, vector<16xf32>,
      %gather3A_493 = tpu.vector_load_idx %arg11[%get3A_449] : memref<1968xi32, #tpu.memory_space<vmem>>[vector<16xi32>], vector<16xi32>,
      %add3A_494 = arith.constant 32 : i32
      %add3A_495 = vector.broadcast %add3A_494 : i32 to vector<16xi32>
      %add3A_496 = arith.addi %iota3A, %add3A_495 : vector<16xi32>
      %eq3A_497 = arith.cmpi eq, %gather3A_493, %add3A_496 : vector<16xi32>
      %sub3A_498 = arith.subf %gather3A_450, %broadcast_in_dim3A_468 : vector<16xf32>
      %jit3A_499 = arith.constant -1.000000e+30 : f32
      %broadcast_in_dim3A_500 = vector.broadcast %jit3A_499 : f32 to vector<16xf32>
      %select_n3A_501 = arith.select %eq3A_497, %sub3A_498, %broadcast_in_dim3A_500 : vector<16xi1>, vector<16xf32>
      %swap3A_502 = arith.index_cast %add3A_432 : i32 to index
      %swap3A_503 = arith.constant 96 : index
      %swap3A_504 = tpu.vector_load %arg15[%swap3A_502, %swap3A_503] {strides = array<i32>} : memref<256x128xf32, #tpu.memory_space<vmem>>, vector<16xf32>,
      tpu.vector_store %arg15[%swap3A_502, %swap3A_503], %select_n3A_501 {strides = array<i32>} : memref<256x128xf32, #tpu.memory_space<vmem>>, vector<16xf32>,
      %gather3A_505 = tpu.vector_load_idx %arg11[%get3A_456] : memref<1968xi32, #tpu.memory_space<vmem>>[vector<16xi32>], vector<16xi32>,
      %add3A_506 = arith.constant 48 : i32
      %add3A_507 = vector.broadcast %add3A_506 : i32 to vector<16xi32>
      %add3A_508 = arith.addi %iota3A, %add3A_507 : vector<16xi32>
      %eq3A_509 = arith.cmpi eq, %gather3A_505, %add3A_508 : vector<16xi32>
      %sub3A_510 = arith.subf %gather3A_457, %broadcast_in_dim3A_468 : vector<16xf32>
      %jit3A_511 = arith.constant -1.000000e+30 : f32
      %broadcast_in_dim3A_512 = vector.broadcast %jit3A_511 : f32 to vector<16xf32>
      %select_n3A_513 = arith.select %eq3A_509, %sub3A_510, %broadcast_in_dim3A_512 : vector<16xi1>, vector<16xf32>
      %swap3A_514 = arith.index_cast %add3A_432 : i32 to index
      %swap3A_515 = arith.constant 112 : index
      %swap3A_516 = tpu.vector_load %arg15[%swap3A_514, %swap3A_515] {strides = array<i32>} : memref<256x128xf32, #tpu.memory_space<vmem>>, vector<16xf32>,
      tpu.vector_store %arg15[%swap3A_514, %swap3A_515], %select_n3A_513 {strides = array<i32>} : memref<256x128xf32, #tpu.memory_space<vmem>>, vector<16xf32>,
      %add3A_517 = arith.constant 3 : i32
      %add3A_518 = arith.addi %multiple_of3A, %add3A_517 : i32
      %get3A_519 = arith.index_cast %add3A_518 : i32 to index
      %get3A_520 = arith.constant 0 : index
      %get3A_521 = tpu.vector_load %arg14[%get3A_519, %get3A_520] {strides = array<i32>} : memref<256x128xi32, #tpu.memory_space<vmem>>, vector<16xi32>,
      %gather3A_522 = tpu.vector_load_idx %arg5[%get3A_521] : memref<1968xf32, #tpu.memory_space<vmem>>[vector<16xi32>], vector<16xf32>,
      %add3A_523 = arith.constant 0 : i32
      %add3A_524 = vector.broadcast %add3A_523 : i32 to vector<16xi32>
      %add3A_525 = arith.addi %iota3A, %add3A_524 : vector<16xi32>
      tpu.vector_store_idx %arg12[%get3A_521], %add3A_525 : memref<1968xi32, #tpu.memory_space<vmem>>[vector<16xi32>], vector<16xi32>,
      %get3A_526 = arith.index_cast %add3A_518 : i32 to index
      %get3A_527 = arith.constant 16 : index
      %get3A_528 = tpu.vector_load %arg14[%get3A_526, %get3A_527] {strides = array<i32>} : memref<256x128xi32, #tpu.memory_space<vmem>>, vector<16xi32>,
      %gather3A_529 = tpu.vector_load_idx %arg5[%get3A_528] : memref<1968xf32, #tpu.memory_space<vmem>>[vector<16xi32>], vector<16xf32>,
      %add3A_530 = arith.constant 16 : i32
      %add3A_531 = vector.broadcast %add3A_530 : i32 to vector<16xi32>
      %add3A_532 = arith.addi %iota3A, %add3A_531 : vector<16xi32>
      tpu.vector_store_idx %arg12[%get3A_528], %add3A_532 : memref<1968xi32, #tpu.memory_space<vmem>>[vector<16xi32>], vector<16xi32>,
      %get3A_533 = arith.index_cast %add3A_518 : i32 to index
      %get3A_534 = arith.constant 32 : index
      %get3A_535 = tpu.vector_load %arg14[%get3A_533, %get3A_534] {strides = array<i32>} : memref<256x128xi32, #tpu.memory_space<vmem>>, vector<16xi32>,
      %gather3A_536 = tpu.vector_load_idx %arg5[%get3A_535] : memref<1968xf32, #tpu.memory_space<vmem>>[vector<16xi32>], vector<16xf32>,
      %add3A_537 = arith.constant 32 : i32
      %add3A_538 = vector.broadcast %add3A_537 : i32 to vector<16xi32>
      %add3A_539 = arith.addi %iota3A, %add3A_538 : vector<16xi32>
      tpu.vector_store_idx %arg12[%get3A_535], %add3A_539 : memref<1968xi32, #tpu.memory_space<vmem>>[vector<16xi32>], vector<16xi32>,
      %get3A_540 = arith.index_cast %add3A_518 : i32 to index
      %get3A_541 = arith.constant 48 : index
      %get3A_542 = tpu.vector_load %arg14[%get3A_540, %get3A_541] {strides = array<i32>} : memref<256x128xi32, #tpu.memory_space<vmem>>, vector<16xi32>,
      %gather3A_543 = tpu.vector_load_idx %arg5[%get3A_542] : memref<1968xf32, #tpu.memory_space<vmem>>[vector<16xi32>], vector<16xf32>,
      %add3A_544 = arith.constant 48 : i32
      %add3A_545 = vector.broadcast %add3A_544 : i32 to vector<16xi32>
      %add3A_546 = arith.addi %iota3A, %add3A_545 : vector<16xi32>
      tpu.vector_store_idx %arg12[%get3A_542], %add3A_546 : memref<1968xi32, #tpu.memory_space<vmem>>[vector<16xi32>], vector<16xi32>,
      %max3A_547 = arith.maximumf %gather3A_522, %gather3A_529 : vector<16xf32>
      %max3A_548 = arith.maximumf %gather3A_536, %gather3A_543 : vector<16xf32>
      %max3A_549 = arith.maximumf %max3A_547, %max3A_548 : vector<16xf32>
      %reduce_max3A_550 = arith.constant true
      %reduce_max3A_551 = vector.broadcast %reduce_max3A_550 : i1 to vector<16xi1>
      %reduce_max3A_552 = tpu.scan <max>, %max3A_549 masked %reduce_max3A_551 : vector<16xf32>, vector<16xi1> -> vector<16xf32>
      %reduce_max3A_553 = vector.extract %reduce_max3A_552[15] : f32 from vector<16xf32>
      %broadcast_in_dim3A_554 = vector.broadcast %reduce_max3A_553 : f32 to vector<16xf32>
      %gather3A_555 = tpu.vector_load_idx %arg12[%get3A_521] : memref<1968xi32, #tpu.memory_space<vmem>>[vector<16xi32>], vector<16xi32>,
      %add3A_556 = arith.constant 0 : i32
      %add3A_557 = vector.broadcast %add3A_556 : i32 to vector<16xi32>
      %add3A_558 = arith.addi %iota3A, %add3A_557 : vector<16xi32>
      %eq3A_559 = arith.cmpi eq, %gather3A_555, %add3A_558 : vector<16xi32>
      %sub3A_560 = arith.subf %gather3A_522, %broadcast_in_dim3A_554 : vector<16xf32>
      %jit3A_561 = arith.constant -1.000000e+30 : f32
      %broadcast_in_dim3A_562 = vector.broadcast %jit3A_561 : f32 to vector<16xf32>
      %select_n3A_563 = arith.select %eq3A_559, %sub3A_560, %broadcast_in_dim3A_562 : vector<16xi1>, vector<16xf32>
      %swap3A_564 = arith.index_cast %add3A_518 : i32 to index
      %swap3A_565 = arith.constant 0 : index
      %swap3A_566 = tpu.vector_load %arg15[%swap3A_564, %swap3A_565] {strides = array<i32>} : memref<256x128xf32, #tpu.memory_space<vmem>>, vector<16xf32>,
      tpu.vector_store %arg15[%swap3A_564, %swap3A_565], %select_n3A_563 {strides = array<i32>} : memref<256x128xf32, #tpu.memory_space<vmem>>, vector<16xf32>,
      %gather3A_567 = tpu.vector_load_idx %arg12[%get3A_528] : memref<1968xi32, #tpu.memory_space<vmem>>[vector<16xi32>], vector<16xi32>,
      %add3A_568 = arith.constant 16 : i32
      %add3A_569 = vector.broadcast %add3A_568 : i32 to vector<16xi32>
      %add3A_570 = arith.addi %iota3A, %add3A_569 : vector<16xi32>
      %eq3A_571 = arith.cmpi eq, %gather3A_567, %add3A_570 : vector<16xi32>
      %sub3A_572 = arith.subf %gather3A_529, %broadcast_in_dim3A_554 : vector<16xf32>
      %jit3A_573 = arith.constant -1.000000e+30 : f32
      %broadcast_in_dim3A_574 = vector.broadcast %jit3A_573 : f32 to vector<16xf32>
      %select_n3A_575 = arith.select %eq3A_571, %sub3A_572, %broadcast_in_dim3A_574 : vector<16xi1>, vector<16xf32>
      %swap3A_576 = arith.index_cast %add3A_518 : i32 to index
      %swap3A_577 = arith.constant 16 : index
      %swap3A_578 = tpu.vector_load %arg15[%swap3A_576, %swap3A_577] {strides = array<i32>} : memref<256x128xf32, #tpu.memory_space<vmem>>, vector<16xf32>,
      tpu.vector_store %arg15[%swap3A_576, %swap3A_577], %select_n3A_575 {strides = array<i32>} : memref<256x128xf32, #tpu.memory_space<vmem>>, vector<16xf32>,
      %gather3A_579 = tpu.vector_load_idx %arg12[%get3A_535] : memref<1968xi32, #tpu.memory_space<vmem>>[vector<16xi32>], vector<16xi32>,
      %add3A_580 = arith.constant 32 : i32
      %add3A_581 = vector.broadcast %add3A_580 : i32 to vector<16xi32>
      %add3A_582 = arith.addi %iota3A, %add3A_581 : vector<16xi32>
      %eq3A_583 = arith.cmpi eq, %gather3A_579, %add3A_582 : vector<16xi32>
      %sub3A_584 = arith.subf %gather3A_536, %broadcast_in_dim3A_554 : vector<16xf32>
      %jit3A_585 = arith.constant -1.000000e+30 : f32
      %broadcast_in_dim3A_586 = vector.broadcast %jit3A_585 : f32 to vector<16xf32>
      %select_n3A_587 = arith.select %eq3A_583, %sub3A_584, %broadcast_in_dim3A_586 : vector<16xi1>, vector<16xf32>
      %swap3A_588 = arith.index_cast %add3A_518 : i32 to index
      %swap3A_589 = arith.constant 32 : index
      %swap3A_590 = tpu.vector_load %arg15[%swap3A_588, %swap3A_589] {strides = array<i32>} : memref<256x128xf32, #tpu.memory_space<vmem>>, vector<16xf32>,
      tpu.vector_store %arg15[%swap3A_588, %swap3A_589], %select_n3A_587 {strides = array<i32>} : memref<256x128xf32, #tpu.memory_space<vmem>>, vector<16xf32>,
      %gather3A_591 = tpu.vector_load_idx %arg12[%get3A_542] : memref<1968xi32, #tpu.memory_space<vmem>>[vector<16xi32>], vector<16xi32>,
      %add3A_592 = arith.constant 48 : i32
      %add3A_593 = vector.broadcast %add3A_592 : i32 to vector<16xi32>
      %add3A_594 = arith.addi %iota3A, %add3A_593 : vector<16xi32>
      %eq3A_595 = arith.cmpi eq, %gather3A_591, %add3A_594 : vector<16xi32>
      %sub3A_596 = arith.subf %gather3A_543, %broadcast_in_dim3A_554 : vector<16xf32>
      %jit3A_597 = arith.constant -1.000000e+30 : f32
      %broadcast_in_dim3A_598 = vector.broadcast %jit3A_597 : f32 to vector<16xf32>
      %select_n3A_599 = arith.select %eq3A_595, %sub3A_596, %broadcast_in_dim3A_598 : vector<16xi1>, vector<16xf32>
      %swap3A_600 = arith.index_cast %add3A_518 : i32 to index
      %swap3A_601 = arith.constant 48 : index
      %swap3A_602 = tpu.vector_load %arg15[%swap3A_600, %swap3A_601] {strides = array<i32>} : memref<256x128xf32, #tpu.memory_space<vmem>>, vector<16xf32>,
      tpu.vector_store %arg15[%swap3A_600, %swap3A_601], %select_n3A_599 {strides = array<i32>} : memref<256x128xf32, #tpu.memory_space<vmem>>, vector<16xf32>,
      %add3A_603 = arith.constant 3 : i32
      %add3A_604 = arith.addi %multiple_of3A, %add3A_603 : i32
      %get3A_605 = arith.index_cast %add3A_604 : i32 to index
      %get3A_606 = arith.constant 64 : index
      %get3A_607 = tpu.vector_load %arg14[%get3A_605, %get3A_606] {strides = array<i32>} : memref<256x128xi32, #tpu.memory_space<vmem>>, vector<16xi32>,
      %gather3A_608 = tpu.vector_load_idx %arg5[%get3A_607] : memref<1968xf32, #tpu.memory_space<vmem>>[vector<16xi32>], vector<16xf32>,
      %add3A_609 = arith.constant 0 : i32
      %add3A_610 = vector.broadcast %add3A_609 : i32 to vector<16xi32>
      %add3A_611 = arith.addi %iota3A, %add3A_610 : vector<16xi32>
      tpu.vector_store_idx %arg13[%get3A_607], %add3A_611 : memref<1968xi32, #tpu.memory_space<vmem>>[vector<16xi32>], vector<16xi32>,
      %get3A_612 = arith.index_cast %add3A_604 : i32 to index
      %get3A_613 = arith.constant 80 : index
      %get3A_614 = tpu.vector_load %arg14[%get3A_612, %get3A_613] {strides = array<i32>} : memref<256x128xi32, #tpu.memory_space<vmem>>, vector<16xi32>,
      %gather3A_615 = tpu.vector_load_idx %arg5[%get3A_614] : memref<1968xf32, #tpu.memory_space<vmem>>[vector<16xi32>], vector<16xf32>,
      %add3A_616 = arith.constant 16 : i32
      %add3A_617 = vector.broadcast %add3A_616 : i32 to vector<16xi32>
      %add3A_618 = arith.addi %iota3A, %add3A_617 : vector<16xi32>
      tpu.vector_store_idx %arg13[%get3A_614], %add3A_618 : memref<1968xi32, #tpu.memory_space<vmem>>[vector<16xi32>], vector<16xi32>,
      %get3A_619 = arith.index_cast %add3A_604 : i32 to index
      %get3A_620 = arith.constant 96 : index
      %get3A_621 = tpu.vector_load %arg14[%get3A_619, %get3A_620] {strides = array<i32>} : memref<256x128xi32, #tpu.memory_space<vmem>>, vector<16xi32>,
      %gather3A_622 = tpu.vector_load_idx %arg5[%get3A_621] : memref<1968xf32, #tpu.memory_space<vmem>>[vector<16xi32>], vector<16xf32>,
      %add3A_623 = arith.constant 32 : i32
      %add3A_624 = vector.broadcast %add3A_623 : i32 to vector<16xi32>
      %add3A_625 = arith.addi %iota3A, %add3A_624 : vector<16xi32>
      tpu.vector_store_idx %arg13[%get3A_621], %add3A_625 : memref<1968xi32, #tpu.memory_space<vmem>>[vector<16xi32>], vector<16xi32>,
      %get3A_626 = arith.index_cast %add3A_604 : i32 to index
      %get3A_627 = arith.constant 112 : index
      %get3A_628 = tpu.vector_load %arg14[%get3A_626, %get3A_627] {strides = array<i32>} : memref<256x128xi32, #tpu.memory_space<vmem>>, vector<16xi32>,
      %gather3A_629 = tpu.vector_load_idx %arg5[%get3A_628] : memref<1968xf32, #tpu.memory_space<vmem>>[vector<16xi32>], vector<16xf32>,
      %add3A_630 = arith.constant 48 : i32
      %add3A_631 = vector.broadcast %add3A_630 : i32 to vector<16xi32>
      %add3A_632 = arith.addi %iota3A, %add3A_631 : vector<16xi32>
      tpu.vector_store_idx %arg13[%get3A_628], %add3A_632 : memref<1968xi32, #tpu.memory_space<vmem>>[vector<16xi32>], vector<16xi32>,
      %max3A_633 = arith.maximumf %gather3A_608, %gather3A_615 : vector<16xf32>
      %max3A_634 = arith.maximumf %gather3A_622, %gather3A_629 : vector<16xf32>
      %max3A_635 = arith.maximumf %max3A_633, %max3A_634 : vector<16xf32>
      %reduce_max3A_636 = arith.constant true
      %reduce_max3A_637 = vector.broadcast %reduce_max3A_636 : i1 to vector<16xi1>
      %reduce_max3A_638 = tpu.scan <max>, %max3A_635 masked %reduce_max3A_637 : vector<16xf32>, vector<16xi1> -> vector<16xf32>
      %reduce_max3A_639 = vector.extract %reduce_max3A_638[15] : f32 from vector<16xf32>
      %broadcast_in_dim3A_640 = vector.broadcast %reduce_max3A_639 : f32 to vector<16xf32>
      %gather3A_641 = tpu.vector_load_idx %arg13[%get3A_607] : memref<1968xi32, #tpu.memory_space<vmem>>[vector<16xi32>], vector<16xi32>,
      %add3A_642 = arith.constant 0 : i32
      %add3A_643 = vector.broadcast %add3A_642 : i32 to vector<16xi32>
      %add3A_644 = arith.addi %iota3A, %add3A_643 : vector<16xi32>
      %eq3A_645 = arith.cmpi eq, %gather3A_641, %add3A_644 : vector<16xi32>
      %sub3A_646 = arith.subf %gather3A_608, %broadcast_in_dim3A_640 : vector<16xf32>
      %jit3A_647 = arith.constant -1.000000e+30 : f32
      %broadcast_in_dim3A_648 = vector.broadcast %jit3A_647 : f32 to vector<16xf32>
      %select_n3A_649 = arith.select %eq3A_645, %sub3A_646, %broadcast_in_dim3A_648 : vector<16xi1>, vector<16xf32>
      %swap3A_650 = arith.index_cast %add3A_604 : i32 to index
      %swap3A_651 = arith.constant 64 : index
      %swap3A_652 = tpu.vector_load %arg15[%swap3A_650, %swap3A_651] {strides = array<i32>} : memref<256x128xf32, #tpu.memory_space<vmem>>, vector<16xf32>,
      tpu.vector_store %arg15[%swap3A_650, %swap3A_651], %select_n3A_649 {strides = array<i32>} : memref<256x128xf32, #tpu.memory_space<vmem>>, vector<16xf32>,
      %gather3A_653 = tpu.vector_load_idx %arg13[%get3A_614] : memref<1968xi32, #tpu.memory_space<vmem>>[vector<16xi32>], vector<16xi32>,
      %add3A_654 = arith.constant 16 : i32
      %add3A_655 = vector.broadcast %add3A_654 : i32 to vector<16xi32>
      %add3A_656 = arith.addi %iota3A, %add3A_655 : vector<16xi32>
      %eq3A_657 = arith.cmpi eq, %gather3A_653, %add3A_656 : vector<16xi32>
      %sub3A_658 = arith.subf %gather3A_615, %broadcast_in_dim3A_640 : vector<16xf32>
      %jit3A_659 = arith.constant -1.000000e+30 : f32
      %broadcast_in_dim3A_660 = vector.broadcast %jit3A_659 : f32 to vector<16xf32>
      %select_n3A_661 = arith.select %eq3A_657, %sub3A_658, %broadcast_in_dim3A_660 : vector<16xi1>, vector<16xf32>
      %swap3A_662 = arith.index_cast %add3A_604 : i32 to index
      %swap3A_663 = arith.constant 80 : index
      %swap3A_664 = tpu.vector_load %arg15[%swap3A_662, %swap3A_663] {strides = array<i32>} : memref<256x128xf32, #tpu.memory_space<vmem>>, vector<16xf32>,
      tpu.vector_store %arg15[%swap3A_662, %swap3A_663], %select_n3A_661 {strides = array<i32>} : memref<256x128xf32, #tpu.memory_space<vmem>>, vector<16xf32>,
      %gather3A_665 = tpu.vector_load_idx %arg13[%get3A_621] : memref<1968xi32, #tpu.memory_space<vmem>>[vector<16xi32>], vector<16xi32>,
      %add3A_666 = arith.constant 32 : i32
      %add3A_667 = vector.broadcast %add3A_666 : i32 to vector<16xi32>
      %add3A_668 = arith.addi %iota3A, %add3A_667 : vector<16xi32>
      %eq3A_669 = arith.cmpi eq, %gather3A_665, %add3A_668 : vector<16xi32>
      %sub3A_670 = arith.subf %gather3A_622, %broadcast_in_dim3A_640 : vector<16xf32>
      %jit3A_671 = arith.constant -1.000000e+30 : f32
      %broadcast_in_dim3A_672 = vector.broadcast %jit3A_671 : f32 to vector<16xf32>
      %select_n3A_673 = arith.select %eq3A_669, %sub3A_670, %broadcast_in_dim3A_672 : vector<16xi1>, vector<16xf32>
      %swap3A_674 = arith.index_cast %add3A_604 : i32 to index
      %swap3A_675 = arith.constant 96 : index
      %swap3A_676 = tpu.vector_load %arg15[%swap3A_674, %swap3A_675] {strides = array<i32>} : memref<256x128xf32, #tpu.memory_space<vmem>>, vector<16xf32>,
      tpu.vector_store %arg15[%swap3A_674, %swap3A_675], %select_n3A_673 {strides = array<i32>} : memref<256x128xf32, #tpu.memory_space<vmem>>, vector<16xf32>,
      %gather3A_677 = tpu.vector_load_idx %arg13[%get3A_628] : memref<1968xi32, #tpu.memory_space<vmem>>[vector<16xi32>], vector<16xi32>,
      %add3A_678 = arith.constant 48 : i32
      %add3A_679 = vector.broadcast %add3A_678 : i32 to vector<16xi32>
      %add3A_680 = arith.addi %iota3A, %add3A_679 : vector<16xi32>
      %eq3A_681 = arith.cmpi eq, %gather3A_677, %add3A_680 : vector<16xi32>
      %sub3A_682 = arith.subf %gather3A_629, %broadcast_in_dim3A_640 : vector<16xf32>
      %jit3A_683 = arith.constant -1.000000e+30 : f32
      %broadcast_in_dim3A_684 = vector.broadcast %jit3A_683 : f32 to vector<16xf32>
      %select_n3A_685 = arith.select %eq3A_681, %sub3A_682, %broadcast_in_dim3A_684 : vector<16xi1>, vector<16xf32>
      %swap3A_686 = arith.index_cast %add3A_604 : i32 to index
      %swap3A_687 = arith.constant 112 : index
      %swap3A_688 = tpu.vector_load %arg15[%swap3A_686, %swap3A_687] {strides = array<i32>} : memref<256x128xf32, #tpu.memory_space<vmem>>, vector<16xf32>,
      tpu.vector_store %arg15[%swap3A_686, %swap3A_687], %select_n3A_685 {strides = array<i32>} : memref<256x128xf32, #tpu.memory_space<vmem>>, vector<16xf32>,
    }
    %scan3A_7 = arith.constant 64 : i32
    "tpu.region"() ({
      %run_scoped3A = tpu.sem_alloc : memref<!tpu.dma_semaphore, #tpu.memory_space<semaphore_mem>>
      %dma_start3A = arith.constant 0 : i32
      %dma_start3A_8 = tpu.memref_slice %arg4[%mul3A_2, %dma_start3A] : memref<8192x128xf32, #tpu.memory_space<hbm>> -> memref<256x128xf32, #tpu.memory_space<hbm>>
      %dma_start3A_9 = arith.constant 0 : i32
      %dma_start3A_10 = tpu.memref_slice %arg4[%mul3A_2, %dma_start3A_9] : memref<8192x128xf32, #tpu.memory_space<hbm>> -> memref<256x128xf32, #tpu.memory_space<hbm>>
      tpu.enqueue_dma source(%arg15 : memref<256x128xf32, #tpu.memory_space<vmem>>) target(%dma_start3A_10 : memref<256x128xf32, #tpu.memory_space<hbm>>) target_semaphore(%run_scoped3A : memref<!tpu.dma_semaphore, #tpu.memory_space<semaphore_mem>>)
      %dma_wait3A = arith.constant 0 : i32
      %dma_wait3A_11 = tpu.memref_slice %arg4[%mul3A_2, %dma_wait3A] : memref<8192x128xf32, #tpu.memory_space<hbm>> -> memref<256x128xf32, #tpu.memory_space<hbm>>
      %dma_wait3A_12 = arith.constant 0 : i32
      %dma_wait3A_13 = tpu.memref_slice %arg4[%mul3A_2, %dma_wait3A_12] : memref<8192x128xf32, #tpu.memory_space<hbm>> -> memref<256x128xf32, #tpu.memory_space<hbm>>
      tpu.wait_dma2 semaphore(%run_scoped3A : memref<!tpu.dma_semaphore, #tpu.memory_space<semaphore_mem>>) src(%arg15 : memref<256x128xf32, #tpu.memory_space<vmem>>) dst(%dma_wait3A_13 : memref<256x128xf32, #tpu.memory_space<hbm>>)
      tpu.yield
    }) : () -> ()
    return
  }
}

module attributes {stable_mosaic.version = 14 : i64} {
  func.func @body(%arg0: i32, %arg1: memref<512x128xi32, #tpu.memory_space<vmem>>, %arg2: memref<512x128xf32, #tpu.memory_space<vmem>>) attributes {dimension_semantics = [#tpu.dimension_semantics<arbitrary>], iteration_bounds = array<i64: 16>, scalar_prefetch = 0 : i64, scratch_operands = 0 : i64, tpu.core_type = #tpu.core_type<tc>, window_params = [{transform_indices = @transform_0, window_bounds = array<i64: 512, 128>}, {transform_indices = @transform_1, window_bounds = array<i64: 512, 128>}]} {
    %get3A = arith.constant 0 : index
    %get3A_0 = arith.constant 0 : index
    %get3A_1 = vector.load %arg1[%get3A, %get3A_0] : memref<512x128xi32, #tpu.memory_space<vmem>>, vector<512x128xi32>
    %mul3A = arith.constant 512 : i32
    %mul3A_2 = arith.muli %arg0, %mul3A : i32
    %iota3A = tpu.iota {dimensions = array<i32: 0>} : vector<512x128xi32>
    %add3A = vector.broadcast %mul3A_2 : i32 to vector<512x128xi32>
    %add3A_3 = arith.addi %add3A, %iota3A : vector<512x128xi32>
    %iota3A_4 = tpu.iota {dimensions = array<i32: 1>} : vector<512x128xi32>
    %ge3A = arith.constant 64 : i32
    %ge3A_5 = vector.broadcast %ge3A : i32 to vector<512x128xi32>
    %ge3A_6 = arith.cmpi sge, %iota3A_4, %ge3A_5 : vector<512x128xi32>
    %jit3A = arith.constant 8192 : i32
    %jit3A_7 = arith.constant 0 : i32
    %broadcast_in_dim3A = vector.broadcast %jit3A : i32 to vector<512x128xi32>
    %broadcast_in_dim3A_8 = vector.broadcast %jit3A_7 : i32 to vector<512x128xi32>
    %select_n3A = arith.select %ge3A_6, %broadcast_in_dim3A, %broadcast_in_dim3A_8 : vector<512x128xi1>, vector<512x128xi32>
    %add3A_9 = arith.addi %add3A_3, %select_n3A : vector<512x128xi32>
    %mul3A_10 = arith.constant 1968 : i32
    %mul3A_11 = vector.broadcast %mul3A_10 : i32 to vector<512x128xi32>
    %mul3A_12 = arith.muli %add3A_9, %mul3A_11 : vector<512x128xi32>
    %add3A_13 = arith.addi %mul3A_12, %get3A_1 : vector<512x128xi32>
    %broadcast_in_dim3A_14 = arith.constant 0 : i32
    %broadcast_in_dim3A_15 = vector.broadcast %broadcast_in_dim3A_14 : i32 to vector<512x128xi32>
    %xor3A = arith.constant 0 : i32
    %xor3A_16 = arith.constant 1 : i32
    %xor3A_17 = arith.xori %xor3A, %xor3A_16 : i32
    %xor3A_18 = arith.constant 466688986 : i32
    %xor3A_19 = arith.xori %xor3A_17, %xor3A_18 : i32
    %add3A_20 = arith.constant 0 : i32
    %add3A_21 = vector.broadcast %add3A_20 : i32 to vector<512x128xi32>
    %add3A_22 = arith.addi %broadcast_in_dim3A_15, %add3A_21 : vector<512x128xi32>
    %add3A_23 = arith.constant 1 : i32
    %add3A_24 = vector.broadcast %add3A_23 : i32 to vector<512x128xi32>
    %add3A_25 = arith.addi %add3A_13, %add3A_24 : vector<512x128xi32>
    %add3A_26 = arith.addi %add3A_22, %add3A_25 : vector<512x128xi32>
    %shift_left3A = arith.constant 13 : i32
    %shift_left3A_27 = vector.broadcast %shift_left3A : i32 to vector<512x128xi32>
    %shift_left3A_28 = arith.shli %add3A_25, %shift_left3A_27 : vector<512x128xi32>
    %shift_right_logical3A = arith.constant 19 : i32
    %shift_right_logical3A_29 = vector.broadcast %shift_right_logical3A : i32 to vector<512x128xi32>
    %shift_right_logical3A_30 = arith.shrui %add3A_25, %shift_right_logical3A_29 : vector<512x128xi32>
    %or3A = arith.ori %shift_left3A_28, %shift_right_logical3A_30 : vector<512x128xi32>
    %xor3A_31 = arith.xori %add3A_26, %or3A : vector<512x128xi32>
    %add3A_32 = arith.addi %add3A_26, %xor3A_31 : vector<512x128xi32>
    %shift_left3A_33 = arith.constant 15 : i32
    %shift_left3A_34 = vector.broadcast %shift_left3A_33 : i32 to vector<512x128xi32>
    %shift_left3A_35 = arith.shli %xor3A_31, %shift_left3A_34 : vector<512x128xi32>
    %shift_right_logical3A_36 = arith.constant 17 : i32
    %shift_right_logical3A_37 = vector.broadcast %shift_right_logical3A_36 : i32 to vector<512x128xi32>
    %shift_right_logical3A_38 = arith.shrui %xor3A_31, %shift_right_logical3A_37 : vector<512x128xi32>
    %or3A_39 = arith.ori %shift_left3A_35, %shift_right_logical3A_38 : vector<512x128xi32>
    %xor3A_40 = arith.xori %add3A_32, %or3A_39 : vector<512x128xi32>
    %add3A_41 = arith.addi %add3A_32, %xor3A_40 : vector<512x128xi32>
    %shift_left3A_42 = arith.constant 26 : i32
    %shift_left3A_43 = vector.broadcast %shift_left3A_42 : i32 to vector<512x128xi32>
    %shift_left3A_44 = arith.shli %xor3A_40, %shift_left3A_43 : vector<512x128xi32>
    %shift_right_logical3A_45 = arith.constant 6 : i32
    %shift_right_logical3A_46 = vector.broadcast %shift_right_logical3A_45 : i32 to vector<512x128xi32>
    %shift_right_logical3A_47 = arith.shrui %xor3A_40, %shift_right_logical3A_46 : vector<512x128xi32>
    %or3A_48 = arith.ori %shift_left3A_44, %shift_right_logical3A_47 : vector<512x128xi32>
    %xor3A_49 = arith.xori %add3A_41, %or3A_48 : vector<512x128xi32>
    %add3A_50 = arith.addi %add3A_41, %xor3A_49 : vector<512x128xi32>
    %shift_left3A_51 = arith.constant 6 : i32
    %shift_left3A_52 = vector.broadcast %shift_left3A_51 : i32 to vector<512x128xi32>
    %shift_left3A_53 = arith.shli %xor3A_49, %shift_left3A_52 : vector<512x128xi32>
    %shift_right_logical3A_54 = arith.constant 26 : i32
    %shift_right_logical3A_55 = vector.broadcast %shift_right_logical3A_54 : i32 to vector<512x128xi32>
    %shift_right_logical3A_56 = arith.shrui %xor3A_49, %shift_right_logical3A_55 : vector<512x128xi32>
    %or3A_57 = arith.ori %shift_left3A_53, %shift_right_logical3A_56 : vector<512x128xi32>
    %xor3A_58 = arith.xori %add3A_50, %or3A_57 : vector<512x128xi32>
    %add3A_59 = arith.constant 1 : i32
    %add3A_60 = vector.broadcast %add3A_59 : i32 to vector<512x128xi32>
    %add3A_61 = arith.addi %add3A_50, %add3A_60 : vector<512x128xi32>
    %add3A_62 = vector.broadcast %xor3A_19 : i32 to vector<512x128xi32>
    %add3A_63 = arith.addi %xor3A_58, %add3A_62 : vector<512x128xi32>
    %add3A_64 = arith.constant 1 : i32
    %add3A_65 = vector.broadcast %add3A_64 : i32 to vector<512x128xi32>
    %add3A_66 = arith.addi %add3A_63, %add3A_65 : vector<512x128xi32>
    %add3A_67 = arith.addi %add3A_61, %add3A_66 : vector<512x128xi32>
    %shift_left3A_68 = arith.constant 17 : i32
    %shift_left3A_69 = vector.broadcast %shift_left3A_68 : i32 to vector<512x128xi32>
    %shift_left3A_70 = arith.shli %add3A_66, %shift_left3A_69 : vector<512x128xi32>
    %shift_right_logical3A_71 = arith.constant 15 : i32
    %shift_right_logical3A_72 = vector.broadcast %shift_right_logical3A_71 : i32 to vector<512x128xi32>
    %shift_right_logical3A_73 = arith.shrui %add3A_66, %shift_right_logical3A_72 : vector<512x128xi32>
    %or3A_74 = arith.ori %shift_left3A_70, %shift_right_logical3A_73 : vector<512x128xi32>
    %xor3A_75 = arith.xori %add3A_67, %or3A_74 : vector<512x128xi32>
    %add3A_76 = arith.addi %add3A_67, %xor3A_75 : vector<512x128xi32>
    %shift_left3A_77 = arith.constant 29 : i32
    %shift_left3A_78 = vector.broadcast %shift_left3A_77 : i32 to vector<512x128xi32>
    %shift_left3A_79 = arith.shli %xor3A_75, %shift_left3A_78 : vector<512x128xi32>
    %shift_right_logical3A_80 = arith.constant 3 : i32
    %shift_right_logical3A_81 = vector.broadcast %shift_right_logical3A_80 : i32 to vector<512x128xi32>
    %shift_right_logical3A_82 = arith.shrui %xor3A_75, %shift_right_logical3A_81 : vector<512x128xi32>
    %or3A_83 = arith.ori %shift_left3A_79, %shift_right_logical3A_82 : vector<512x128xi32>
    %xor3A_84 = arith.xori %add3A_76, %or3A_83 : vector<512x128xi32>
    %add3A_85 = arith.addi %add3A_76, %xor3A_84 : vector<512x128xi32>
    %shift_left3A_86 = arith.constant 16 : i32
    %shift_left3A_87 = vector.broadcast %shift_left3A_86 : i32 to vector<512x128xi32>
    %shift_left3A_88 = arith.shli %xor3A_84, %shift_left3A_87 : vector<512x128xi32>
    %shift_right_logical3A_89 = arith.constant 16 : i32
    %shift_right_logical3A_90 = vector.broadcast %shift_right_logical3A_89 : i32 to vector<512x128xi32>
    %shift_right_logical3A_91 = arith.shrui %xor3A_84, %shift_right_logical3A_90 : vector<512x128xi32>
    %or3A_92 = arith.ori %shift_left3A_88, %shift_right_logical3A_91 : vector<512x128xi32>
    %xor3A_93 = arith.xori %add3A_85, %or3A_92 : vector<512x128xi32>
    %add3A_94 = arith.addi %add3A_85, %xor3A_93 : vector<512x128xi32>
    %shift_left3A_95 = arith.constant 24 : i32
    %shift_left3A_96 = vector.broadcast %shift_left3A_95 : i32 to vector<512x128xi32>
    %shift_left3A_97 = arith.shli %xor3A_93, %shift_left3A_96 : vector<512x128xi32>
    %shift_right_logical3A_98 = arith.constant 8 : i32
    %shift_right_logical3A_99 = vector.broadcast %shift_right_logical3A_98 : i32 to vector<512x128xi32>
    %shift_right_logical3A_100 = arith.shrui %xor3A_93, %shift_right_logical3A_99 : vector<512x128xi32>
    %or3A_101 = arith.ori %shift_left3A_97, %shift_right_logical3A_100 : vector<512x128xi32>
    %xor3A_102 = arith.xori %add3A_94, %or3A_101 : vector<512x128xi32>
    %add3A_103 = vector.broadcast %xor3A_19 : i32 to vector<512x128xi32>
    %add3A_104 = arith.addi %add3A_94, %add3A_103 : vector<512x128xi32>
    %add3A_105 = arith.constant 0 : i32
    %add3A_106 = vector.broadcast %add3A_105 : i32 to vector<512x128xi32>
    %add3A_107 = arith.addi %xor3A_102, %add3A_106 : vector<512x128xi32>
    %add3A_108 = arith.constant 2 : i32
    %add3A_109 = vector.broadcast %add3A_108 : i32 to vector<512x128xi32>
    %add3A_110 = arith.addi %add3A_107, %add3A_109 : vector<512x128xi32>
    %add3A_111 = arith.addi %add3A_104, %add3A_110 : vector<512x128xi32>
    %shift_left3A_112 = arith.constant 13 : i32
    %shift_left3A_113 = vector.broadcast %shift_left3A_112 : i32 to vector<512x128xi32>
    %shift_left3A_114 = arith.shli %add3A_110, %shift_left3A_113 : vector<512x128xi32>
    %shift_right_logical3A_115 = arith.constant 19 : i32
    %shift_right_logical3A_116 = vector.broadcast %shift_right_logical3A_115 : i32 to vector<512x128xi32>
    %shift_right_logical3A_117 = arith.shrui %add3A_110, %shift_right_logical3A_116 : vector<512x128xi32>
    %or3A_118 = arith.ori %shift_left3A_114, %shift_right_logical3A_117 : vector<512x128xi32>
    %xor3A_119 = arith.xori %add3A_111, %or3A_118 : vector<512x128xi32>
    %add3A_120 = arith.addi %add3A_111, %xor3A_119 : vector<512x128xi32>
    %shift_left3A_121 = arith.constant 15 : i32
    %shift_left3A_122 = vector.broadcast %shift_left3A_121 : i32 to vector<512x128xi32>
    %shift_left3A_123 = arith.shli %xor3A_119, %shift_left3A_122 : vector<512x128xi32>
    %shift_right_logical3A_124 = arith.constant 17 : i32
    %shift_right_logical3A_125 = vector.broadcast %shift_right_logical3A_124 : i32 to vector<512x128xi32>
    %shift_right_logical3A_126 = arith.shrui %xor3A_119, %shift_right_logical3A_125 : vector<512x128xi32>
    %or3A_127 = arith.ori %shift_left3A_123, %shift_right_logical3A_126 : vector<512x128xi32>
    %xor3A_128 = arith.xori %add3A_120, %or3A_127 : vector<512x128xi32>
    %add3A_129 = arith.addi %add3A_120, %xor3A_128 : vector<512x128xi32>
    %shift_left3A_130 = arith.constant 26 : i32
    %shift_left3A_131 = vector.broadcast %shift_left3A_130 : i32 to vector<512x128xi32>
    %shift_left3A_132 = arith.shli %xor3A_128, %shift_left3A_131 : vector<512x128xi32>
    %shift_right_logical3A_133 = arith.constant 6 : i32
    %shift_right_logical3A_134 = vector.broadcast %shift_right_logical3A_133 : i32 to vector<512x128xi32>
    %shift_right_logical3A_135 = arith.shrui %xor3A_128, %shift_right_logical3A_134 : vector<512x128xi32>
    %or3A_136 = arith.ori %shift_left3A_132, %shift_right_logical3A_135 : vector<512x128xi32>
    %xor3A_137 = arith.xori %add3A_129, %or3A_136 : vector<512x128xi32>
    %add3A_138 = arith.addi %add3A_129, %xor3A_137 : vector<512x128xi32>
    %shift_left3A_139 = arith.constant 6 : i32
    %shift_left3A_140 = vector.broadcast %shift_left3A_139 : i32 to vector<512x128xi32>
    %shift_left3A_141 = arith.shli %xor3A_137, %shift_left3A_140 : vector<512x128xi32>
    %shift_right_logical3A_142 = arith.constant 26 : i32
    %shift_right_logical3A_143 = vector.broadcast %shift_right_logical3A_142 : i32 to vector<512x128xi32>
    %shift_right_logical3A_144 = arith.shrui %xor3A_137, %shift_right_logical3A_143 : vector<512x128xi32>
    %or3A_145 = arith.ori %shift_left3A_141, %shift_right_logical3A_144 : vector<512x128xi32>
    %xor3A_146 = arith.xori %add3A_138, %or3A_145 : vector<512x128xi32>
    %add3A_147 = arith.constant 0 : i32
    %add3A_148 = vector.broadcast %add3A_147 : i32 to vector<512x128xi32>
    %add3A_149 = arith.addi %add3A_138, %add3A_148 : vector<512x128xi32>
    %add3A_150 = arith.constant 1 : i32
    %add3A_151 = vector.broadcast %add3A_150 : i32 to vector<512x128xi32>
    %add3A_152 = arith.addi %xor3A_146, %add3A_151 : vector<512x128xi32>
    %add3A_153 = arith.constant 3 : i32
    %add3A_154 = vector.broadcast %add3A_153 : i32 to vector<512x128xi32>
    %add3A_155 = arith.addi %add3A_152, %add3A_154 : vector<512x128xi32>
    %add3A_156 = arith.addi %add3A_149, %add3A_155 : vector<512x128xi32>
    %shift_left3A_157 = arith.constant 17 : i32
    %shift_left3A_158 = vector.broadcast %shift_left3A_157 : i32 to vector<512x128xi32>
    %shift_left3A_159 = arith.shli %add3A_155, %shift_left3A_158 : vector<512x128xi32>
    %shift_right_logical3A_160 = arith.constant 15 : i32
    %shift_right_logical3A_161 = vector.broadcast %shift_right_logical3A_160 : i32 to vector<512x128xi32>
    %shift_right_logical3A_162 = arith.shrui %add3A_155, %shift_right_logical3A_161 : vector<512x128xi32>
    %or3A_163 = arith.ori %shift_left3A_159, %shift_right_logical3A_162 : vector<512x128xi32>
    %xor3A_164 = arith.xori %add3A_156, %or3A_163 : vector<512x128xi32>
    %add3A_165 = arith.addi %add3A_156, %xor3A_164 : vector<512x128xi32>
    %shift_left3A_166 = arith.constant 29 : i32
    %shift_left3A_167 = vector.broadcast %shift_left3A_166 : i32 to vector<512x128xi32>
    %shift_left3A_168 = arith.shli %xor3A_164, %shift_left3A_167 : vector<512x128xi32>
    %shift_right_logical3A_169 = arith.constant 3 : i32
    %shift_right_logical3A_170 = vector.broadcast %shift_right_logical3A_169 : i32 to vector<512x128xi32>
    %shift_right_logical3A_171 = arith.shrui %xor3A_164, %shift_right_logical3A_170 : vector<512x128xi32>
    %or3A_172 = arith.ori %shift_left3A_168, %shift_right_logical3A_171 : vector<512x128xi32>
    %xor3A_173 = arith.xori %add3A_165, %or3A_172 : vector<512x128xi32>
    %add3A_174 = arith.addi %add3A_165, %xor3A_173 : vector<512x128xi32>
    %shift_left3A_175 = arith.constant 16 : i32
    %shift_left3A_176 = vector.broadcast %shift_left3A_175 : i32 to vector<512x128xi32>
    %shift_left3A_177 = arith.shli %xor3A_173, %shift_left3A_176 : vector<512x128xi32>
    %shift_right_logical3A_178 = arith.constant 16 : i32
    %shift_right_logical3A_179 = vector.broadcast %shift_right_logical3A_178 : i32 to vector<512x128xi32>
    %shift_right_logical3A_180 = arith.shrui %xor3A_173, %shift_right_logical3A_179 : vector<512x128xi32>
    %or3A_181 = arith.ori %shift_left3A_177, %shift_right_logical3A_180 : vector<512x128xi32>
    %xor3A_182 = arith.xori %add3A_174, %or3A_181 : vector<512x128xi32>
    %add3A_183 = arith.addi %add3A_174, %xor3A_182 : vector<512x128xi32>
    %shift_left3A_184 = arith.constant 24 : i32
    %shift_left3A_185 = vector.broadcast %shift_left3A_184 : i32 to vector<512x128xi32>
    %shift_left3A_186 = arith.shli %xor3A_182, %shift_left3A_185 : vector<512x128xi32>
    %shift_right_logical3A_187 = arith.constant 8 : i32
    %shift_right_logical3A_188 = vector.broadcast %shift_right_logical3A_187 : i32 to vector<512x128xi32>
    %shift_right_logical3A_189 = arith.shrui %xor3A_182, %shift_right_logical3A_188 : vector<512x128xi32>
    %or3A_190 = arith.ori %shift_left3A_186, %shift_right_logical3A_189 : vector<512x128xi32>
    %xor3A_191 = arith.xori %add3A_183, %or3A_190 : vector<512x128xi32>
    %add3A_192 = arith.constant 1 : i32
    %add3A_193 = vector.broadcast %add3A_192 : i32 to vector<512x128xi32>
    %add3A_194 = arith.addi %add3A_183, %add3A_193 : vector<512x128xi32>
    %add3A_195 = vector.broadcast %xor3A_19 : i32 to vector<512x128xi32>
    %add3A_196 = arith.addi %xor3A_191, %add3A_195 : vector<512x128xi32>
    %add3A_197 = arith.constant 4 : i32
    %add3A_198 = vector.broadcast %add3A_197 : i32 to vector<512x128xi32>
    %add3A_199 = arith.addi %add3A_196, %add3A_198 : vector<512x128xi32>
    %add3A_200 = arith.addi %add3A_194, %add3A_199 : vector<512x128xi32>
    %shift_left3A_201 = arith.constant 13 : i32
    %shift_left3A_202 = vector.broadcast %shift_left3A_201 : i32 to vector<512x128xi32>
    %shift_left3A_203 = arith.shli %add3A_199, %shift_left3A_202 : vector<512x128xi32>
    %shift_right_logical3A_204 = arith.constant 19 : i32
    %shift_right_logical3A_205 = vector.broadcast %shift_right_logical3A_204 : i32 to vector<512x128xi32>
    %shift_right_logical3A_206 = arith.shrui %add3A_199, %shift_right_logical3A_205 : vector<512x128xi32>
    %or3A_207 = arith.ori %shift_left3A_203, %shift_right_logical3A_206 : vector<512x128xi32>
    %xor3A_208 = arith.xori %add3A_200, %or3A_207 : vector<512x128xi32>
    %add3A_209 = arith.addi %add3A_200, %xor3A_208 : vector<512x128xi32>
    %shift_left3A_210 = arith.constant 15 : i32
    %shift_left3A_211 = vector.broadcast %shift_left3A_210 : i32 to vector<512x128xi32>
    %shift_left3A_212 = arith.shli %xor3A_208, %shift_left3A_211 : vector<512x128xi32>
    %shift_right_logical3A_213 = arith.constant 17 : i32
    %shift_right_logical3A_214 = vector.broadcast %shift_right_logical3A_213 : i32 to vector<512x128xi32>
    %shift_right_logical3A_215 = arith.shrui %xor3A_208, %shift_right_logical3A_214 : vector<512x128xi32>
    %or3A_216 = arith.ori %shift_left3A_212, %shift_right_logical3A_215 : vector<512x128xi32>
    %xor3A_217 = arith.xori %add3A_209, %or3A_216 : vector<512x128xi32>
    %add3A_218 = arith.addi %add3A_209, %xor3A_217 : vector<512x128xi32>
    %shift_left3A_219 = arith.constant 26 : i32
    %shift_left3A_220 = vector.broadcast %shift_left3A_219 : i32 to vector<512x128xi32>
    %shift_left3A_221 = arith.shli %xor3A_217, %shift_left3A_220 : vector<512x128xi32>
    %shift_right_logical3A_222 = arith.constant 6 : i32
    %shift_right_logical3A_223 = vector.broadcast %shift_right_logical3A_222 : i32 to vector<512x128xi32>
    %shift_right_logical3A_224 = arith.shrui %xor3A_217, %shift_right_logical3A_223 : vector<512x128xi32>
    %or3A_225 = arith.ori %shift_left3A_221, %shift_right_logical3A_224 : vector<512x128xi32>
    %xor3A_226 = arith.xori %add3A_218, %or3A_225 : vector<512x128xi32>
    %add3A_227 = arith.addi %add3A_218, %xor3A_226 : vector<512x128xi32>
    %shift_left3A_228 = arith.constant 6 : i32
    %shift_left3A_229 = vector.broadcast %shift_left3A_228 : i32 to vector<512x128xi32>
    %shift_left3A_230 = arith.shli %xor3A_226, %shift_left3A_229 : vector<512x128xi32>
    %shift_right_logical3A_231 = arith.constant 26 : i32
    %shift_right_logical3A_232 = vector.broadcast %shift_right_logical3A_231 : i32 to vector<512x128xi32>
    %shift_right_logical3A_233 = arith.shrui %xor3A_226, %shift_right_logical3A_232 : vector<512x128xi32>
    %or3A_234 = arith.ori %shift_left3A_230, %shift_right_logical3A_233 : vector<512x128xi32>
    %xor3A_235 = arith.xori %add3A_227, %or3A_234 : vector<512x128xi32>
    %add3A_236 = vector.broadcast %xor3A_19 : i32 to vector<512x128xi32>
    %add3A_237 = arith.addi %add3A_227, %add3A_236 : vector<512x128xi32>
    %add3A_238 = arith.constant 0 : i32
    %add3A_239 = vector.broadcast %add3A_238 : i32 to vector<512x128xi32>
    %add3A_240 = arith.addi %xor3A_235, %add3A_239 : vector<512x128xi32>
    %add3A_241 = arith.constant 5 : i32
    %add3A_242 = vector.broadcast %add3A_241 : i32 to vector<512x128xi32>
    %add3A_243 = arith.addi %add3A_240, %add3A_242 : vector<512x128xi32>
    %xor3A_244 = arith.xori %add3A_237, %add3A_243 : vector<512x128xi32>
    %shift_right_logical3A_245 = arith.constant 9 : i32
    %shift_right_logical3A_246 = vector.broadcast %shift_right_logical3A_245 : i32 to vector<512x128xi32>
    %shift_right_logical3A_247 = arith.shrui %xor3A_244, %shift_right_logical3A_246 : vector<512x128xi32>
    %or3A_248 = arith.constant 1065353216 : i32
    %or3A_249 = vector.broadcast %or3A_248 : i32 to vector<512x128xi32>
    %or3A_250 = arith.ori %shift_right_logical3A_247, %or3A_249 : vector<512x128xi32>
    %bitcast_convert_type3A = tpu.bitcast %or3A_250 : vector<512x128xi32> -> vector<512x128xf32>
    %sub3A = arith.constant 1.000000e+00 : f32
    %sub3A_251 = vector.broadcast %sub3A : f32 to vector<512x128xf32>
    %sub3A_252 = arith.subf %bitcast_convert_type3A, %sub3A_251 : vector<512x128xf32>
    %mul3A_253 = arith.constant 1.000000e+00 : f32
    %mul3A_254 = vector.broadcast %mul3A_253 : f32 to vector<512x128xf32>
    %mul3A_255 = arith.mulf %sub3A_252, %mul3A_254 : vector<512x128xf32>
    %add3A_256 = arith.constant 1.000000e-10 : f32
    %add3A_257 = vector.broadcast %add3A_256 : f32 to vector<512x128xf32>
    %add3A_258 = arith.addf %mul3A_255, %add3A_257 : vector<512x128xf32>
    %max3A = arith.constant 1.000000e-10 : f32
    %max3A_259 = vector.broadcast %max3A : f32 to vector<512x128xf32>
    %max3A_260 = arith.maximumf %max3A_259, %add3A_258 : vector<512x128xf32>
    %log3A = math.log %max3A_260 : vector<512x128xf32>
    %neg3A = arith.constant 0.000000e+00 : f32
    %neg3A_261 = vector.broadcast %neg3A : f32 to vector<512x128xf32>
    %neg3A_262 = arith.subf %neg3A_261, %log3A : vector<512x128xf32>
    %log3A_263 = math.log %neg3A_262 : vector<512x128xf32>
    %neg3A_264 = arith.constant 0.000000e+00 : f32
    %neg3A_265 = vector.broadcast %neg3A_264 : f32 to vector<512x128xf32>
    %neg3A_266 = arith.subf %neg3A_265, %log3A_263 : vector<512x128xf32>
    %swap3A = arith.constant 0 : index
    %swap3A_267 = arith.constant 0 : index
    %swap3A_268 = vector.load %arg2[%swap3A, %swap3A_267] : memref<512x128xf32, #tpu.memory_space<vmem>>, vector<512x128xf32>
    tpu.vector_store %arg2[%swap3A, %swap3A_267], %neg3A_266 {strides = array<i32>} : memref<512x128xf32, #tpu.memory_space<vmem>>, vector<512x128xf32>,
    return
  }
  func.func @transform_0(%arg0: i32) -> (i32, i32) {
    %c0_i32 = arith.constant 0 : i32
    %c0_i32_0 = arith.constant 0 : i32
    return %arg0, %c0_i32 : i32, i32
  }
  func.func @transform_1(%arg0: i32) -> (i32, i32) {
    %c0_i32 = arith.constant 0 : i32
    %c0_i32_0 = arith.constant 0 : i32
    return %arg0, %c0_i32 : i32, i32
  }
}

module attributes {stable_mosaic.version = 14 : i64} {
  func.func @body(%arg0: i32, %arg1: memref<512x128xi32, #tpu.memory_space<vmem>>, %arg2: memref<512x128xf32, #tpu.memory_space<vmem>>, %arg3: memref<512x128xf32, #tpu.memory_space<vmem>>, %arg4: memref<512xi32, #tpu.memory_space<vmem>>, %arg5: memref<512xi32, #tpu.memory_space<vmem>>, %arg6: memref<512xf32, #tpu.memory_space<vmem>>, %arg7: memref<512xf32, #tpu.memory_space<vmem>>) attributes {dimension_semantics = [#tpu.dimension_semantics<arbitrary>], iteration_bounds = array<i64: 16>, scalar_prefetch = 0 : i64, scratch_operands = 0 : i64, tpu.core_type = #tpu.core_type<tc>, window_params = [{transform_indices = @transform_0, window_bounds = array<i64: 512, 128>}, {transform_indices = @transform_1, window_bounds = array<i64: 512, 128>}, {transform_indices = @transform_2, window_bounds = array<i64: 512, 128>}, {transform_indices = @transform_3, window_bounds = array<i64: 512>}, {transform_indices = @transform_4, window_bounds = array<i64: 512>}, {transform_indices = @transform_5, window_bounds = array<i64: 512>}, {transform_indices = @transform_6, window_bounds = array<i64: 512>}]} {
    %get3A = arith.constant 0 : index
    %get3A_0 = arith.constant 0 : index
    %get3A_1 = vector.load %arg1[%get3A, %get3A_0] : memref<512x128xi32, #tpu.memory_space<vmem>>, vector<512x128xi32>
    %convert_element_type3A = arith.sitofp %get3A_1 : vector<512x128xi32> to vector<512x128xf32>
    %get3A_2 = arith.constant 0 : index
    %get3A_3 = arith.constant 0 : index
    %get3A_4 = vector.load %arg2[%get3A_2, %get3A_3] : memref<512x128xf32, #tpu.memory_space<vmem>>, vector<512x128xf32>
    %exp3A = math.exp %get3A_4 : vector<512x128xf32>
    %slice3A = vector.extract_strided_slice %exp3A {offsets = [0, 0], sizes = [512, 64], strides = [1, 1]} : vector<512x128xf32> to vector<512x64xf32>
    %reduce_sum3A = arith.constant dense<0.000000e+00> : vector<512xf32>
    %reduce_sum3A_5 = vector.multi_reduction <add>, %slice3A, %reduce_sum3A [1] : vector<512x64xf32> to vector<512xf32>
    %broadcast_in_dim3A = vector.shape_cast %reduce_sum3A_5 : vector<512xf32> to vector<512x1xf32>
    %slice3A_6 = vector.extract_strided_slice %exp3A {offsets = [0, 64], sizes = [512, 64], strides = [1, 1]} : vector<512x128xf32> to vector<512x64xf32>
    %reduce_sum3A_7 = arith.constant dense<0.000000e+00> : vector<512xf32>
    %reduce_sum3A_8 = vector.multi_reduction <add>, %slice3A_6, %reduce_sum3A_7 [1] : vector<512x64xf32> to vector<512xf32>
    %broadcast_in_dim3A_9 = vector.shape_cast %reduce_sum3A_8 : vector<512xf32> to vector<512x1xf32>
    %broadcast_in_dim3A_10 = vector.shape_cast %broadcast_in_dim3A : vector<512x1xf32> to vector<512x1xf32>
    %broadcast_in_dim3A_11 = vector.broadcast %broadcast_in_dim3A_10 : vector<512x1xf32> to vector<512x64xf32>
    %broadcast_in_dim3A_12 = vector.shape_cast %broadcast_in_dim3A_9 : vector<512x1xf32> to vector<512x1xf32>
    %broadcast_in_dim3A_13 = vector.broadcast %broadcast_in_dim3A_12 : vector<512x1xf32> to vector<512x64xf32>
    %concatenate3A = tpu.concatenate %broadcast_in_dim3A_11, %broadcast_in_dim3A_13 in 1 : vector<512x64xf32>, vector<512x64xf32> -> vector<512x128xf32>
    %div3A = arith.divf %exp3A, %concatenate3A : vector<512x128xf32>
    %add3A = arith.constant 1.000000e-30 : f32
    %add3A_14 = vector.broadcast %add3A : f32 to vector<512x128xf32>
    %add3A_15 = arith.addf %div3A, %add3A_14 : vector<512x128xf32>
    %log3A = math.log %add3A_15 : vector<512x128xf32>
    %get3A_16 = arith.constant 0 : index
    %get3A_17 = arith.constant 0 : index
    %get3A_18 = vector.load %arg3[%get3A_16, %get3A_17] : memref<512x128xf32, #tpu.memory_space<vmem>>, vector<512x128xf32>
    %add3A_19 = arith.addf %log3A, %get3A_18 : vector<512x128xf32>
    %slice3A_20 = vector.extract_strided_slice %add3A_19 {offsets = [0, 0], sizes = [512, 64], strides = [1, 1]} : vector<512x128xf32> to vector<512x64xf32>
    %reduce_max3A = arith.constant dense<0xFF800000> : vector<512xf32>
    %reduce_max3A_21 = vector.multi_reduction <maximumf>, %slice3A_20, %reduce_max3A [1] : vector<512x64xf32> to vector<512xf32>
    %broadcast_in_dim3A_22 = vector.shape_cast %reduce_max3A_21 : vector<512xf32> to vector<512x1xf32>
    %slice3A_23 = vector.extract_strided_slice %add3A_19 {offsets = [0, 64], sizes = [512, 64], strides = [1, 1]} : vector<512x128xf32> to vector<512x64xf32>
    %reduce_max3A_24 = arith.constant dense<0xFF800000> : vector<512xf32>
    %reduce_max3A_25 = vector.multi_reduction <maximumf>, %slice3A_23, %reduce_max3A_24 [1] : vector<512x64xf32> to vector<512xf32>
    %broadcast_in_dim3A_26 = vector.shape_cast %reduce_max3A_25 : vector<512xf32> to vector<512x1xf32>
    %broadcast_in_dim3A_27 = vector.shape_cast %broadcast_in_dim3A_22 : vector<512x1xf32> to vector<512x1xf32>
    %broadcast_in_dim3A_28 = vector.broadcast %broadcast_in_dim3A_27 : vector<512x1xf32> to vector<512x64xf32>
    %broadcast_in_dim3A_29 = vector.shape_cast %broadcast_in_dim3A_26 : vector<512x1xf32> to vector<512x1xf32>
    %broadcast_in_dim3A_30 = vector.broadcast %broadcast_in_dim3A_29 : vector<512x1xf32> to vector<512x64xf32>
    %concatenate3A_31 = tpu.concatenate %broadcast_in_dim3A_28, %broadcast_in_dim3A_30 in 1 : vector<512x64xf32>, vector<512x64xf32> -> vector<512x128xf32>
    %eq3A = arith.cmpf oeq, %add3A_19, %concatenate3A_31 : vector<512x128xf32>
    %jit3A = arith.constant 3.000000e+38 : f32
    %broadcast_in_dim3A_32 = vector.broadcast %jit3A : f32 to vector<512x128xf32>
    %select_n3A = arith.select %eq3A, %convert_element_type3A, %broadcast_in_dim3A_32 : vector<512x128xi1>, vector<512x128xf32>
    %slice3A_33 = vector.extract_strided_slice %select_n3A {offsets = [0, 0], sizes = [512, 64], strides = [1, 1]} : vector<512x128xf32> to vector<512x64xf32>
    %reduce_min3A = arith.constant dense<0x7F800000> : vector<512xf32>
    %reduce_min3A_34 = vector.multi_reduction <minimumf>, %slice3A_33, %reduce_min3A [1] : vector<512x64xf32> to vector<512xf32>
    %slice3A_35 = vector.extract_strided_slice %select_n3A {offsets = [0, 64], sizes = [512, 64], strides = [1, 1]} : vector<512x128xf32> to vector<512x64xf32>
    %reduce_min3A_36 = arith.constant dense<0x7F800000> : vector<512xf32>
    %reduce_min3A_37 = vector.multi_reduction <minimumf>, %slice3A_35, %reduce_min3A_36 [1] : vector<512x64xf32> to vector<512xf32>
    %convert_element_type3A_38 = arith.fptosi %reduce_min3A_34 : vector<512xf32> to vector<512xi32>
    %swap3A = arith.constant 0 : index
    %swap3A_39 = vector.load %arg4[%swap3A] : memref<512xi32, #tpu.memory_space<vmem>>, vector<512xi32>
    tpu.vector_store %arg4[%swap3A], %convert_element_type3A_38 {strides = array<i32>} : memref<512xi32, #tpu.memory_space<vmem>>, vector<512xi32>,
    %convert_element_type3A_40 = arith.fptosi %reduce_min3A_37 : vector<512xf32> to vector<512xi32>
    %swap3A_41 = arith.constant 0 : index
    %swap3A_42 = vector.load %arg5[%swap3A_41] : memref<512xi32, #tpu.memory_space<vmem>>, vector<512xi32>
    tpu.vector_store %arg5[%swap3A_41], %convert_element_type3A_40 {strides = array<i32>} : memref<512xi32, #tpu.memory_space<vmem>>, vector<512xi32>,
    %broadcast_in_dim3A_43 = vector.shape_cast %reduce_min3A_34 : vector<512xf32> to vector<512x1xf32>
    %broadcast_in_dim3A_44 = vector.shape_cast %broadcast_in_dim3A_43 : vector<512x1xf32> to vector<512x1xf32>
    %broadcast_in_dim3A_45 = vector.broadcast %broadcast_in_dim3A_44 : vector<512x1xf32> to vector<512x64xf32>
    %broadcast_in_dim3A_46 = vector.shape_cast %reduce_min3A_37 : vector<512xf32> to vector<512x1xf32>
    %broadcast_in_dim3A_47 = vector.shape_cast %broadcast_in_dim3A_46 : vector<512x1xf32> to vector<512x1xf32>
    %broadcast_in_dim3A_48 = vector.broadcast %broadcast_in_dim3A_47 : vector<512x1xf32> to vector<512x64xf32>
    %concatenate3A_49 = tpu.concatenate %broadcast_in_dim3A_45, %broadcast_in_dim3A_48 in 1 : vector<512x64xf32>, vector<512x64xf32> -> vector<512x128xf32>
    %eq3A_50 = arith.cmpf oeq, %convert_element_type3A, %concatenate3A_49 : vector<512x128xf32>
    %jit3A_51 = arith.constant -3.000000e+38 : f32
    %broadcast_in_dim3A_52 = vector.broadcast %jit3A_51 : f32 to vector<512x128xf32>
    %select_n3A_53 = arith.select %eq3A_50, %log3A, %broadcast_in_dim3A_52 : vector<512x128xi1>, vector<512x128xf32>
    %slice3A_54 = vector.extract_strided_slice %select_n3A_53 {offsets = [0, 0], sizes = [512, 64], strides = [1, 1]} : vector<512x128xf32> to vector<512x64xf32>
    %reduce_max3A_55 = arith.constant dense<0xFF800000> : vector<512xf32>
    %reduce_max3A_56 = vector.multi_reduction <maximumf>, %slice3A_54, %reduce_max3A_55 [1] : vector<512x64xf32> to vector<512xf32>
    %swap3A_57 = arith.constant 0 : index
    %swap3A_58 = vector.load %arg6[%swap3A_57] : memref<512xf32, #tpu.memory_space<vmem>>, vector<512xf32>
    tpu.vector_store %arg6[%swap3A_57], %reduce_max3A_56 {strides = array<i32>} : memref<512xf32, #tpu.memory_space<vmem>>, vector<512xf32>,
    %slice3A_59 = vector.extract_strided_slice %select_n3A_53 {offsets = [0, 64], sizes = [512, 64], strides = [1, 1]} : vector<512x128xf32> to vector<512x64xf32>
    %reduce_max3A_60 = arith.constant dense<0xFF800000> : vector<512xf32>
    %reduce_max3A_61 = vector.multi_reduction <maximumf>, %slice3A_59, %reduce_max3A_60 [1] : vector<512x64xf32> to vector<512xf32>
    %swap3A_62 = arith.constant 0 : index
    %swap3A_63 = vector.load %arg7[%swap3A_62] : memref<512xf32, #tpu.memory_space<vmem>>, vector<512xf32>
    tpu.vector_store %arg7[%swap3A_62], %reduce_max3A_61 {strides = array<i32>} : memref<512xf32, #tpu.memory_space<vmem>>, vector<512xf32>,
    return
  }
  func.func @transform_0(%arg0: i32) -> (i32, i32) {
    %c0_i32 = arith.constant 0 : i32
    %c0_i32_0 = arith.constant 0 : i32
    return %arg0, %c0_i32 : i32, i32
  }
  func.func @transform_1(%arg0: i32) -> (i32, i32) {
    %c0_i32 = arith.constant 0 : i32
    %c0_i32_0 = arith.constant 0 : i32
    return %arg0, %c0_i32 : i32, i32
  }
  func.func @transform_2(%arg0: i32) -> (i32, i32) {
    %c0_i32 = arith.constant 0 : i32
    %c0_i32_0 = arith.constant 0 : i32
    return %arg0, %c0_i32 : i32, i32
  }
  func.func @transform_3(%arg0: i32) -> i32 {
    %c0_i32 = arith.constant 0 : i32
    return %arg0 : i32
  }
  func.func @transform_4(%arg0: i32) -> i32 {
    %c0_i32 = arith.constant 0 : i32
    return %arg0 : i32
  }
  func.func @transform_5(%arg0: i32) -> i32 {
    %c0_i32 = arith.constant 0 : i32
    return %arg0 : i32
  }
  func.func @transform_6(%arg0: i32) -> i32 {
    %c0_i32 = arith.constant 0 : i32
    return %arg0 : i32
  }
}

</mosaic_0001>

<sc_bundles>
// kernel: kernel.5.cloned.1.call-start
scs
__scs_entry_jumppad:
0x0: {  	(pc) =	sbr.rel $0x88, $3  }
0x1: {  	(tag) =	ssettag $0x0;
	lr =	simm.s32 $0x1  }
0x2: {  	[smem:$0x3F9F] =	sst lr;
	_ =	strace $0xD0000000  }
0x3: {  	_ = 	snop  }
0x4: {  	_ = 	snop  }
0x5: {  	_ = 	snop  }
0x6: {  	_ = 	snop  }
0x7: {  	_ = 	snop  }
__scs_overlays_trampoline_lowered:
0x8: {  	[smem:$0x3FAE] =	sst s0  }
0x9: {  	[smem:$0x3FAF] =	sst s1  }
0xa: {  	[smem:$0x3FB0] =	sst s2  }
0xb: {  	[smem:$0x3FB1] =	sst s3  }
0xc: {  	[smem:$0x3FB2] =	sst s4  }
0xd: {  	[smem:$0x3FB3] =	sst s5  }
0xe: {  	[smem:$0x3FB4] =	sst s6  }
0xf: {  	[smem:$0x3FB5] =	sst s7  }
0x10: {  	[smem:$0x3FB6] =	sst s8  }
0x11: {  	[smem:$0x3FB7] =	sst s9;
	s0 =	simm.s32 @!p0 $0x0  }
0x12: {  	s1 =	sld [smem:$0x3F9D];
	s0 =	simm.s32 @p0 $0x1  }
0x13: {  	[smem:$0x3FB8] =	sst s0;
	s0 =	simm.s32 @!p1 $0x0  }
0x14: {  	s2 =	sld [smem:$0x3F9C];
	s0 =	simm.s32 @p1 $0x1  }
0x15: {  	[smem:$0x3FB9] =	sst s0;
	s0 =	simm.s32 @!p2 $0x0  }
0x16: {  	s3 =	sld [smem:$0x3FDB];
	s0 =	simm.s32 @p2 $0x1  }
0x17: {  	s4 =	simm.s32 $0x1BF5;
	[smem:$0x3FBB] =	sst s0  }
0x18: {  	s0 =	sld [smem:$0x3F9E];
	_ =	swait.ge [sflag:s4], $0x0  }
0x19: {  	s7 =	sld [smem:$0x3F9F]  }
0x1a: {  	s8 =	sadd.s32 $0xFFFFE003, lr  }
0x1b: {  	s9 =	sadd.s32 $0xFFFFFEF7, lr;
	s5 =	simm.s32 $0xFFFFFFFF;
	p2 =	slt.u32 s8, $0xFFFFF086  }
0x1c: {  	p1 =	slt.u32 s9, $0xF7A;
	s5 =	simm.s32 @!p2 $0x0  }
0x1d: {  	s5 =	simm.s32 @p1 $0x1;
	p0 =	seq.s32 s7, s2  }
0x1e: {  	s7 =	smul.u32 @!p0 $0xF7A, s2;
	p2 =	seq.s32 @!p0 s5, $0x0  }
0x1f: {  	s9 =	smul.u32 $0xF7A, s1;
	s8 =	simm.s32 @!p0 $0x1BF5;
	p2 =	por !p2, p0  }
0x20: {  	[sflag:s8] =	ssyncset.s32 @!p0 $0xFFFFF086;
	s6 =	sadd.s32 @!p0 s3, s7;
	s7 =	simm.s32 @!p0 $0x108  }
0x21: {  	s3 =	sadd.s32 s3, s9;
	s6 =	sadd.s32 @!p0 $0x88, s6;
	s7 =	simm.s32 @p2 $0x1082  }
0x22: {  	[simem:s7], [sflag:s8] =	dma.local @!p0 [hbm:s6], $0xF7A  }
0x23: {  	s9 =	sor.u32 $0xD0000000, s2;
	s6 =	simm.s32 $0x108;
	_ =	swait.ge @!p0 [sflag:s8], $0x0  }
0x24: {  	s3 =	sadd.s32 $0x88, s3;
	s6 =	simm.s32 @!p1 $0x1082;
	[sflag:s4] =	ssyncset.s32 $0xFFFFF086  }
0x25: {  	[simem:s6], [sflag:s4] =	dma.local [hbm:s3], $0xF7A  }
0x26: {  	[smem:$0x3F9F] =	sst s1;
	(tag) =	ssettag s2;
	_ =	strace s9  }
0x27: {  	s1 =	sld [smem:$0x3FAF]  }
0x28: {  	s2 =	sld [smem:$0x3FB0]  }
0x29: {  	s4 =	sld [smem:$0x3FB2]  }
0x2a: {  	p0 =	seq.s32 s5, $0x0;
	s5 =	sld [smem:$0x3FB3]  }
0x2b: {  	s6 =	sld [smem:$0x3FB4]  }
0x2c: {  	s7 =	sld [smem:$0x3FB5]  }
0x2d: {  	s3 =	simm.s32 $0x108;
	s8 =	sld [smem:$0x3FB6]  }
0x2e: {  	s3 =	simm.s32 @!p0 $0x1082;
	s9 =	sld [smem:$0x3FB7]  }
0x2f: {  	lr =	sadd.s32 s0, s3;
	s0 =	sld [smem:$0x3FAE]  }
0x30: {  	s3 =	sld [smem:$0x3FB1]  }
0x31: {  	[smem:$0x3FBA] =	sst s10  }
0x32: {  	s10 =	sld [smem:$0x3FB8];
	_ =	sdelay $0x3  }
0x33: {  	p0 =	seq.s32 s10, $0x1;
	s10 =	sld [smem:$0x3FBA];
	_ =	sdelay $0x3  }
0x34: {  	[smem:$0x3FBA] =	sst s10  }
0x35: {  	s10 =	sld [smem:$0x3FB9];
	_ =	sdelay $0x3  }
0x36: {  	p1 =	seq.s32 s10, $0x1;
	s10 =	sld [smem:$0x3FBA];
	_ =	sdelay $0x3  }
0x37: {  	[smem:$0x3FBA] =	sst s10  }
0x38: {  	s10 =	sld [smem:$0x3FBB]  }
0x39: {  	_ = 	snop;
	(pc) =	sbr.ind lr, $3  }
0x3a: {  	_ = 	snop  }
0x3b: {  	_ = 	snop  }
0x3c: {  	p2 =	seq.s32 s10, $0x1;
	s10 =	sld [smem:$0x3FBA]  }
0x3d: {  	_ =	shalt  }
0x3e: {  	_ =	shalt  }
0x3f: {  	_ =	shalt  }
0x40: {  	_ =	shalt  }
0x41: {  	_ =	shalt  }
0x42: {  	_ =	shalt  }
0x43: {  	_ =	shalt  }
0x44: {  	_ =	shalt  }
0x45: {  	_ =	shalt  }
0x46: {  	_ =	shalt  }
0x47: {  	_ =	shalt  }
0x48: {  	_ =	shalt  }
0x49: {  	_ =	shalt  }
0x4a: {  	_ =	shalt  }
0x4b: {  	_ =	shalt  }
0x4c: {  	_ =	shalt  }
0x4d: {  	_ =	shalt  }
0x4e: {  	_ =	shalt  }
0x4f: {  	_ =	shalt  }
0x50: {  	_ =	shalt  }
0x51: {  	_ =	shalt  }
0x52: {  	_ =	shalt  }
0x53: {  	_ =	shalt  }
0x54: {  	_ =	shalt  }
0x55: {  	_ =	shalt  }
0x56: {  	_ =	shalt  }
0x57: {  	_ =	shalt  }
0x58: {  	_ =	shalt  }
0x59: {  	_ =	shalt  }
0x5a: {  	_ =	shalt  }
0x5b: {  	_ =	shalt  }
0x5c: {  	_ =	shalt  }
0x5d: {  	_ =	shalt  }
0x5e: {  	_ =	shalt  }
0x5f: {  	_ =	shalt  }
0x60: {  	_ =	shalt  }
0x61: {  	_ =	shalt  }
0x62: {  	_ =	shalt  }
0x63: {  	_ =	shalt  }
0x64: {  	_ =	shalt  }
0x65: {  	_ =	shalt  }
0x66: {  	_ =	shalt  }
0x67: {  	_ =	shalt  }
0x68: {  	_ =	shalt  }
0x69: {  	_ =	shalt  }
0x6a: {  	_ =	shalt  }
0x6b: {  	_ =	shalt  }
0x6c: {  	_ =	shalt  }
0x6d: {  	_ =	shalt  }
0x6e: {  	_ =	shalt  }
0x6f: {  	_ =	shalt  }
0x70: {  	_ =	shalt  }
0x71: {  	_ =	shalt  }
0x72: {  	_ =	shalt  }
0x73: {  	_ =	shalt  }
0x74: {  	_ =	shalt  }
0x75: {  	_ =	shalt  }
0x76: {  	_ =	shalt  }
0x77: {  	_ =	shalt  }
0x78: {  	_ =	shalt  }
0x79: {  	_ =	shalt  }
0x7a: {  	_ =	shalt  }
0x7b: {  	_ =	shalt  }
0x7c: {  	_ =	shalt  }
0x7d: {  	_ =	shalt  }
0x7e: {  	_ =	shalt  }
0x7f: {  	_ =	shalt  }
0x80: {  	_ =	shalt  }
0x81: {  	_ =	shalt  }
0x82: {  	_ =	shalt  }
0x83: {  	_ =	shalt  }
0x84: {  	_ =	shalt  }
0x85: {  	_ =	shalt  }
0x86: {  	_ =	shalt  }
0x87: {  	_ =	shalt  }
.Lfunc_end0:
.L_simem_size_0:
called_computation_lowered:
.L_overlay_start_0:
0x88: {  	s2 =	sld [smem:$0x3FD9]  }
0x89: {  	s3 =	sld [smem:$0x3FFE];
	_ =	sdelay $0x1  }
0x8a: {  	s1 =	srdreg.scid  }
0x8b: {  	s0 =	sand.u32 $0x1, s1  }
0x8c: {  	s17 =	sshll.u32 s0, $0xA;
	s2 =	sadd.s32 s3, s2  }
0x8d: {  	s2 =	sadd.s32 s2, s17  }
0x8e: {  	[smem:$0x3FC6] =	sst s2  }
0x8f: {  	_ = 	snop  }
0x90: {  	s2 =	sld [smem:$0x3FC8];
	(tm) =	ssettm $0x1  }
0x91: {  	s18 =	sld [smem:$0x3FFB];
	_ =	sdelay $0x3  }
0x92: {  	_ =	strace s18  }
0x93: {  	s3 =	sld [smem:$0x3FFC];
	_ =	sdelay $0x3  }
0x94: {  	_ =	strace s3  }
0x95: {  	s3 =	sld [smem:$0x3FFD];
	_ =	sdelay $0x3  }
0x96: {  	_ =	strace s3  }
0x97: {  	_ =	strace $0x8FFFFFFF  }
0x98: {  	s19 =	sld [smem:$0x3FDB];
	_ =	sdelay $0x1  }
0x99: {  	s4 =	simm.s32 $_scs_section_size  }
0x9a: {  	s5 =	simm.s32 $_size__tile_overlayer_lowered;
	s6 =	simm.s32 $_tile_overlayer_lowered  }
0x9b: {  	s22 =	simm.s32 $0x1BFF;
	s21 =	sshll.u32 s6, $0x1;
	s3 =	sadd.s32 s4, s19  }
0x9c: {  	s7 =	simm.s32 $0x0;
	s20 =	sshll.u32 s5, $0x1;
	s5 =	sadd.s32 s21, s3  }
0x9d: {  	[timem:s7], [sflag:s22] =	dma.local [hbm:s5], s20  }
0x9e: {  	_ =	swait.ge [sflag:s22], s20  }
0x9f: {  	s4 =	ssub.s32 $0x0, s20;
	[sflag:s22] =	ssyncset.done $0x0  }
0xa0: {  	[sflag:s22] =	ssyncadd.s32 s4;
	_ =	sdelay $0x1  }
0xa1: {  	s23 =	simm.s32 $0x1B8B  }
0xa2: {  	_ =	swait.ge [sflag:s23], $0x1  }
0xa3: {  	[sflag:s23] =	ssyncset.done $0x0  }
0xa4: {  	s25 =	simm.s32 $0x1B8E;
	s24 =	sld [smem:$0x3FFE];
	[sflag:s23] =	ssyncadd.s32 $0xFFFFFFFF  }
0xa5: {  	s26 =	simm.s32 $execute0_lowered;
	[smem:$0x3FD2] =	sst s25  }
0xa6: {  	s5 =	sshll.u32 s26, $0x1;
	_ =	strace $0x80000046;
	[dreg:$0x1] =	wrdreg $0xFFFFFFFF  }
0xa7: {  	s28 =	simm.s32 $_size_execute0_lowered;
	s3 =	sadd.s32 s3, s5;
	[dreg:$0x0] =	wrdreg $0x0  }
0xa8: {  	s5 =	sshll.u32 s28, $0x1;
	[dreg:$0x2] =	wrdreg s3  }
0xa9: {  	[dreg:$0x3] =	wrdreg s5  }
0xaa: {  	[dreg:$0x4] =	wrdreg $0xC0  }
0xab: {  	_ =	task [dreg:s7], $0x5FFFF  }
0xac: {  	[dreg:$0x1] =	wrdreg $0xFFFFFFFF  }
0xad: {  	[dreg:$0x0] =	wrdreg $0x60  }
0xae: {  	[dreg:$0x2] =	wrdreg s2  }
0xaf: {  	[dreg:$0x3] =	wrdreg s24  }
0xb0: {  	[dreg:$0x4] =	wrdreg $0x9  }
0xb1: {  	_ =	task.clear_ibuf [dreg:s7], $0x5FFFF;
	_ =	strace $0x90000046  }
0xb2: {  	s29 =	simm.s32 $0x9;
	_ =	strace $0x80000048  }
0xb3: {  	_ =	swait.ge [sflag:s29], $0x1  }
0xb4: {  	[sflag:s29] =	ssyncadd.s32 $0xFFFFFFFF  }
0xb5: {  	_ =	strace $0x90000048  }
0xb6: {  	_ =	sfence  }
0xb7: {  	s30 =	sld [smem:$0x0];
	_ =	sdelay $0x2  }
0xb8: {  	s31 =	sshll.u32 s1, $0xD;
	s1 =	sshrl.u32 s1, $0x2  }
0xb9: {  	s3 =	sand.u32 $0x4000, s31;
	s1 =	sadd.s32 s1, s30  }
0xba: {  	s0 =	sor.u32 s3, s0;
	s1 =	sshll.u32 s1, $0x11  }
0xbb: {  	s0 =	sor.u32 s1, s0  }
0xbc: {  	s0 =	sadd.s32 $0x8F2B, s0  }
0xbd: {  	[sflag:s0] =	ssyncadd.remote.s32 $0x1  }
0xbe: {  	_ =	sfence.sel $0xFFFF  }
0xbf: {  	[dreg:$0x0] =	wrdreg $0xFFFFFFFF;
	(pc) =	sbr.abs _section_cstart, $3  }
0xc0: {  	[dreg:$0x1] =	wrdreg $0xFFFFFFFF  }
0xc1: {  	_ =	task.clear_ibuf [dreg:s7], $0x2FFFF;
	_ =	strace $0x9FFFFFFF  }
0xc2: {  	(tm) =	ssettm $0x7FFFFFFF  }
0xc3: {  	_ =	shalt  }
tec
execute0_lowered:
.L_overlay_start_1:
0x0: {  	(tag) =	ssettag $0x1  }
0x1: {  	s1 =	rddreg [dreg:$0x0]  }
0x2: {  	s4 =	rddreg [dreg:$0x1]  }
0x3: {  	s0 =	rddreg [dreg:$0x2];
	s5 =	srdreg.scid  }
0x4: {  	s3 =	simm.s32 $0x0;
	s2 =	stileid.u32;
	s8 =	simm.s32 $0x4800  }
0x5: {  	s9 =	simm.s32 $0x800;
	s10 =	simm.s32 $0x1000;
	s11 =	simm.s32 $0x1800  }
0x6: {  	s12 =	simm.s32 $0x2000;
	s13 =	simm.s32 $0x2800;
	s14 =	simm.s32 $0x3000  }
0x7: {  	s15 =	simm.s32 $0x3800;
	s16 =	simm.s32 $0x4000;
	s5 =	sand.u32 $0x1, s5  }
0x8: {  	s17 =	simm.s32 $0xC800;
	s6 =	sshll.u32 s2, $0xD;
	s7 =	sshll.u32 s5, $0xC  }
0x9: {  	s18 =	simm.s32 $0x0;
	s5 =	ssub.s32 $0x2, s5;
	s6 =	sor.u32 s7, s6  }
0xa: {  	[smem:$0x7FF] =	sst s3;
	s31 =	sshrl.u32 s5, $0x1;
	s6 =	sadd.s32 s6, s4  }
0xb: {  	v0 =	vlaneseq.u32;
	_ =	strace $0x80000047;
	s7 =	ssub.s32 s5, s31;
	s4 =	sadd.s32 $0xC00, s6  }
0xc: {  	v1 =	vor.u32 $0x10, v0;
	v2 =	vor.u32 $0x20, v0;
	v3 =	vor.u32 $0x30, v0;
	s5 =	sadd.s32 $0x20C00, s6;
	s6 =	smax.u32 s7, $0x1;
	s7 =	simm.s32 $0x1  }
.LBB2_1:
0xd: {  	[tilespmem:s3], [sflag:$0x1] =	stream.linear.gather [hbm4b:s1+s3], $0x800, $0x38;
	[tilespmem:$0x14800] =	vst v63  }
0xe: {  	_ =	swait.ge [sflag:s7], $0x800  }
0xf: {  	[sflag:s7] =	ssyncset.done $0x0  }
0x10: {  	[sflag:s7] =	ssyncadd.s32 $0xFFFFF800  }
0x11: {  	[tilespmem:s8], [sflag:$0x1] =	stream.linear.gather [hbm4b:s4+s3], $0x8000, $0x38;
	[tilespmem:$0x14800] =	vst v63  }
0x12: {  	_ =	swait.ge [sflag:s7], $0x8000  }
0x13: {  	[sflag:s7] =	ssyncset.done $0x0  }
0x14: {  	s19 =	simm.s32 $0x0;
	[sflag:s7] =	ssyncadd.s32 $0xFFFF8000  }
.LBB2_2:
0x15: {  	s20 =	sshra.s32 s19, $0x2  }
0x16: {  	v4 =	vld [tilespmem:s20+$0x4800];
	_ =	sdelay $0x7  }
0x17: {  	v5 =	vld.idx.msk [tilespmem:v4+s3+$0x0], $0xffff;
	[tilespmem:v4+s9+$0x0] =	vst.idx.msk $0xffff, v0  }
0x18: {  	v6 =	vld [tilespmem:s20+$0x4810];
	_ =	sdelay $0x7  }
0x19: {  	v7 =	vld.idx.msk [tilespmem:v6+s3+$0x0], $0xffff;
	[tilespmem:v6+s9+$0x0] =	vst.idx.msk $0xffff, v1  }
0x1a: {  	v8 =	vld [tilespmem:s20+$0x4820];
	_ =	sdelay $0x7  }
0x1b: {  	v9 =	vld.idx.msk [tilespmem:v8+s3+$0x0], $0xffff;
	[tilespmem:v8+s9+$0x0] =	vst.idx.msk $0xffff, v2  }
0x1c: {  	v10 =	vld [tilespmem:s20+$0x4830];
	_ =	sdelay $0x7  }
0x1d: {  	v11 =	vld.idx.msk [tilespmem:v10+s3+$0x0], $0xffff;
	_ =	sdelay $0x4  }
0x1e: {  	v12 =	vmax.f32 v5, v7;
	v13 =	vmax.f32 v9, v11  }
0x1f: {  	v12 =	vmax.f32 v12, v13  }
0x20: {  	(xrf0) =	vmax.scan.msk.f32 $0xffff, v12;
	_ =	sdelay $0x3  }
0x21: {  	[tilespmem:v10+s9+$0x0] =	vst.idx.msk $0xffff, v3  }
0x22: {  	v4 =	vld.idx.msk [tilespmem:v4+s9+$0x0], $0xffff  }
0x23: {  	v12, _, _ =	vpop (xrf0)  }
0x24: {  	v12 =	vbroadcast v12, $0xF;
	_ =	sdelay $0x1  }
0x25: {  	v5 =	vsub.f32 v5, v12  }
0x26: {  	vm0 =	veq.s32 v4, v0  }
0x27: {  	v4 =	vnsel vm0, $0xF149F2CA, v5  }
0x28: {  	[tilespmem:s20+$0xC800] =	vst v4  }
0x29: {  	v4 =	vld.idx.msk [tilespmem:v6+s9+$0x0], $0xffff;
	_ =	sdelay $0x3  }
0x2a: {  	v5 =	vsub.f32 v7, v12  }
0x2b: {  	vm9 =	veq.s32 v4, v1  }
0x2c: {  	v4 =	vnsel vm9, $0xF149F2CA, v5  }
0x2d: {  	[tilespmem:s20+$0xC810] =	vst v4  }
0x2e: {  	v4 =	vld.idx.msk [tilespmem:v8+s9+$0x0], $0xffff;
	_ =	sdelay $0x3  }
0x2f: {  	v5 =	vsub.f32 v9, v12  }
0x30: {  	vm10 =	veq.s32 v4, v2  }
0x31: {  	v4 =	vnsel vm10, $0xF149F2CA, v5  }
0x32: {  	v5 =	vld [tilespmem:s20+$0x4840];
	[tilespmem:s20+$0xC820] =	vst v4  }
0x33: {  	v4 =	vld.idx.msk [tilespmem:v10+s9+$0x0], $0xffff;
	_ =	sdelay $0x3  }
0x34: {  	v49 =	vsub.f32 v11, v12  }
0x35: {  	vm11 =	veq.s32 v4, v3  }
0x36: {  	v4 =	vnsel vm11, $0xF149F2CA, v49  }
0x37: {  	[tilespmem:s20+$0xC830] =	vst v4  }
0x38: {  	v4 =	vld.idx.msk [tilespmem:v5+s3+$0x0], $0xffff;
	[tilespmem:v5+s10+$0x0] =	vst.idx.msk $0xffff, v0  }
0x39: {  	v50 =	vld [tilespmem:s20+$0x4850];
	_ =	sdelay $0x7  }
0x3a: {  	v51 =	vld.idx.msk [tilespmem:v50+s3+$0x0], $0xffff;
	[tilespmem:v50+s10+$0x0] =	vst.idx.msk $0xffff, v1  }
0x3b: {  	v52 =	vld [tilespmem:s20+$0x4860];
	_ =	sdelay $0x7  }
0x3c: {  	v53 =	vld.idx.msk [tilespmem:v52+s3+$0x0], $0xffff;
	[tilespmem:v52+s10+$0x0] =	vst.idx.msk $0xffff, v2  }
0x3d: {  	v54 =	vld [tilespmem:s20+$0x4870];
	_ =	sdelay $0x7  }
0x3e: {  	v55 =	vld.idx.msk [tilespmem:v54+s3+$0x0], $0xffff;
	_ =	sdelay $0x4  }
0x3f: {  	v56 =	vmax.f32 v4, v51;
	v57 =	vmax.f32 v53, v55  }
0x40: {  	v12 =	vmax.f32 v56, v57  }
0x41: {  	(xrf0) =	vmax.scan.msk.f32 $0xffff, v12;
	_ =	sdelay $0x3  }
0x42: {  	[tilespmem:v54+s10+$0x0] =	vst.idx.msk $0xffff, v3  }
0x43: {  	v5 =	vld.idx.msk [tilespmem:v5+s10+$0x0], $0xffff  }
0x44: {  	v12, _, _ =	vpop (xrf0)  }
0x45: {  	v12 =	vbroadcast v12, $0xF;
	_ =	sdelay $0x1  }
0x46: {  	v4 =	vsub.f32 v4, v12  }
0x47: {  	vm12 =	veq.s32 v5, v0  }
0x48: {  	v4 =	vnsel vm12, $0xF149F2CA, v4  }
0x49: {  	[tilespmem:s20+$0xC840] =	vst v4  }
0x4a: {  	v4 =	vld.idx.msk [tilespmem:v50+s10+$0x0], $0xffff;
	_ =	sdelay $0x3  }
0x4b: {  	v5 =	vsub.f32 v51, v12  }
0x4c: {  	vm13 =	veq.s32 v4, v1  }
0x4d: {  	v4 =	vnsel vm13, $0xF149F2CA, v5  }
0x4e: {  	[tilespmem:s20+$0xC850] =	vst v4  }
0x4f: {  	v4 =	vld.idx.msk [tilespmem:v52+s10+$0x0], $0xffff;
	_ =	sdelay $0x3  }
0x50: {  	v5 =	vsub.f32 v53, v12  }
0x51: {  	vm14 =	veq.s32 v4, v2  }
0x52: {  	v4 =	vnsel vm14, $0xF149F2CA, v5  }
0x53: {  	v5 =	vld [tilespmem:s20+$0x4880];
	[tilespmem:s20+$0xC860] =	vst v4  }
0x54: {  	v4 =	vld.idx.msk [tilespmem:v54+s10+$0x0], $0xffff;
	_ =	sdelay $0x3  }
0x55: {  	v58 =	vsub.f32 v55, v12  }
0x56: {  	vm15 =	veq.s32 v4, v3  }
0x57: {  	v4 =	vnsel vm15, $0xF149F2CA, v58  }
0x58: {  	[tilespmem:s20+$0xC870] =	vst v4  }
0x59: {  	v4 =	vld.idx.msk [tilespmem:v5+s3+$0x0], $0xffff;
	[tilespmem:v5+s11+$0x0] =	vst.idx.msk $0xffff, v0  }
0x5a: {  	v59 =	vld [tilespmem:s20+$0x4890];
	_ =	sdelay $0x7  }
0x5b: {  	v60 =	vld.idx.msk [tilespmem:v59+s3+$0x0], $0xffff;
	[tilespmem:v59+s11+$0x0] =	vst.idx.msk $0xffff, v1  }
0x5c: {  	v61 =	vld [tilespmem:s20+$0x48A0];
	_ =	sdelay $0x7  }
0x5d: {  	v62 =	vld.idx.msk [tilespmem:v61+s3+$0x0], $0xffff;
	[tilespmem:v61+s11+$0x0] =	vst.idx.msk $0xffff, v2  }
0x5e: {  	v63 =	vld [tilespmem:s20+$0x48B0];
	_ =	sdelay $0x7  }
0x5f: {  	v16 =	vld.idx.msk [tilespmem:v63+s3+$0x0], $0xffff;
	_ =	sdelay $0x4  }
0x60: {  	v17 =	vmax.f32 v4, v60;
	v18 =	vmax.f32 v62, v16  }
0x61: {  	v12 =	vmax.f32 v17, v18  }
0x62: {  	(xrf0) =	vmax.scan.msk.f32 $0xffff, v12;
	_ =	sdelay $0x3  }
0x63: {  	[tilespmem:v63+s11+$0x0] =	vst.idx.msk $0xffff, v3  }
0x64: {  	v5 =	vld.idx.msk [tilespmem:v5+s11+$0x0], $0xffff  }
0x65: {  	v12, _, _ =	vpop (xrf0)  }
0x66: {  	v12 =	vbroadcast v12, $0xF;
	_ =	sdelay $0x1  }
0x67: {  	v4 =	vsub.f32 v4, v12  }
0x68: {  	vm4 =	veq.s32 v5, v0  }
0x69: {  	v4 =	vnsel vm4, $0xF149F2CA, v4  }
0x6a: {  	[tilespmem:s20+$0xC880] =	vst v4  }
0x6b: {  	v4 =	vld.idx.msk [tilespmem:v59+s11+$0x0], $0xffff;
	_ =	sdelay $0x3  }
0x6c: {  	v5 =	vsub.f32 v60, v12  }
0x6d: {  	vm5 =	veq.s32 v4, v1  }
0x6e: {  	v4 =	vnsel vm5, $0xF149F2CA, v5  }
0x6f: {  	[tilespmem:s20+$0xC890] =	vst v4  }
0x70: {  	v4 =	vld.idx.msk [tilespmem:v61+s11+$0x0], $0xffff;
	_ =	sdelay $0x3  }
0x71: {  	v5 =	vsub.f32 v62, v12  }
0x72: {  	vm6 =	veq.s32 v4, v2  }
0x73: {  	v4 =	vnsel vm6, $0xF149F2CA, v5  }
0x74: {  	v5 =	vld [tilespmem:s20+$0x48C0];
	[tilespmem:s20+$0xC8A0] =	vst v4  }
0x75: {  	v4 =	vld.idx.msk [tilespmem:v63+s11+$0x0], $0xffff;
	_ =	sdelay $0x3  }
0x76: {  	v19 =	vsub.f32 v16, v12  }
0x77: {  	vm7 =	veq.s32 v4, v3  }
0x78: {  	v4 =	vnsel vm7, $0xF149F2CA, v19  }
0x79: {  	[tilespmem:s20+$0xC8B0] =	vst v4  }
0x7a: {  	v4 =	vld.idx.msk [tilespmem:v5+s3+$0x0], $0xffff;
	[tilespmem:v5+s12+$0x0] =	vst.idx.msk $0xffff, v0  }
0x7b: {  	v20 =	vld [tilespmem:s20+$0x48D0];
	_ =	sdelay $0x7  }
0x7c: {  	v21 =	vld.idx.msk [tilespmem:v20+s3+$0x0], $0xffff;
	[tilespmem:v20+s12+$0x0] =	vst.idx.msk $0xffff, v1  }
0x7d: {  	v22 =	vld [tilespmem:s20+$0x48E0];
	_ =	sdelay $0x7  }
0x7e: {  	v23 =	vld.idx.msk [tilespmem:v22+s3+$0x0], $0xffff;
	[tilespmem:v22+s12+$0x0] =	vst.idx.msk $0xffff, v2  }
0x7f: {  	v24 =	vld [tilespmem:s20+$0x48F0];
	_ =	sdelay $0x7  }
0x80: {  	v25 =	vld.idx.msk [tilespmem:v24+s3+$0x0], $0xffff;
	_ =	sdelay $0x4  }
0x81: {  	v26 =	vmax.f32 v4, v21;
	v27 =	vmax.f32 v23, v25  }
0x82: {  	v12 =	vmax.f32 v26, v27  }
0x83: {  	(xrf0) =	vmax.scan.msk.f32 $0xffff, v12;
	_ =	sdelay $0x3  }
0x84: {  	[tilespmem:v24+s12+$0x0] =	vst.idx.msk $0xffff, v3  }
0x85: {  	v5 =	vld.idx.msk [tilespmem:v5+s12+$0x0], $0xffff  }
0x86: {  	v12, _, _ =	vpop (xrf0)  }
0x87: {  	v12 =	vbroadcast v12, $0xF;
	_ =	sdelay $0x1  }
0x88: {  	v4 =	vsub.f32 v4, v12  }
0x89: {  	vm8 =	veq.s32 v5, v0  }
0x8a: {  	v4 =	vnsel vm8, $0xF149F2CA, v4  }
0x8b: {  	[tilespmem:s20+$0xC8C0] =	vst v4  }
0x8c: {  	v4 =	vld.idx.msk [tilespmem:v20+s12+$0x0], $0xffff;
	_ =	sdelay $0x3  }
0x8d: {  	v5 =	vsub.f32 v21, v12  }
0x8e: {  	vm9 =	veq.s32 v4, v1  }
0x8f: {  	v4 =	vnsel vm9, $0xF149F2CA, v5  }
0x90: {  	[tilespmem:s20+$0xC8D0] =	vst v4  }
0x91: {  	v4 =	vld.idx.msk [tilespmem:v22+s12+$0x0], $0xffff;
	_ =	sdelay $0x3  }
0x92: {  	v5 =	vsub.f32 v23, v12  }
0x93: {  	vm10 =	veq.s32 v4, v2  }
0x94: {  	v4 =	vnsel vm10, $0xF149F2CA, v5  }
0x95: {  	v5 =	vld [tilespmem:s20+$0x4900];
	[tilespmem:s20+$0xC8E0] =	vst v4  }
0x96: {  	v4 =	vld.idx.msk [tilespmem:v24+s12+$0x0], $0xffff;
	_ =	sdelay $0x3  }
0x97: {  	v28 =	vsub.f32 v25, v12  }
0x98: {  	vm11 =	veq.s32 v4, v3  }
0x99: {  	v4 =	vnsel vm11, $0xF149F2CA, v28  }
0x9a: {  	[tilespmem:s20+$0xC8F0] =	vst v4  }
0x9b: {  	v4 =	vld.idx.msk [tilespmem:v5+s3+$0x0], $0xffff;
	[tilespmem:v5+s13+$0x0] =	vst.idx.msk $0xffff, v0  }
0x9c: {  	v29 =	vld [tilespmem:s20+$0x4910];
	_ =	sdelay $0x7  }
0x9d: {  	v30 =	vld.idx.msk [tilespmem:v29+s3+$0x0], $0xffff;
	[tilespmem:v29+s13+$0x0] =	vst.idx.msk $0xffff, v1  }
0x9e: {  	v31 =	vld [tilespmem:s20+$0x4920];
	_ =	sdelay $0x7  }
0x9f: {  	v32 =	vld.idx.msk [tilespmem:v31+s3+$0x0], $0xffff;
	[tilespmem:v31+s13+$0x0] =	vst.idx.msk $0xffff, v2  }
0xa0: {  	v33 =	vld [tilespmem:s20+$0x4930];
	_ =	sdelay $0x7  }
0xa1: {  	v34 =	vld.idx.msk [tilespmem:v33+s3+$0x0], $0xffff;
	_ =	sdelay $0x4  }
0xa2: {  	v35 =	vmax.f32 v4, v30;
	v36 =	vmax.f32 v32, v34  }
0xa3: {  	v12 =	vmax.f32 v35, v36  }
0xa4: {  	(xrf0) =	vmax.scan.msk.f32 $0xffff, v12;
	_ =	sdelay $0x3  }
0xa5: {  	[tilespmem:v33+s13+$0x0] =	vst.idx.msk $0xffff, v3  }
0xa6: {  	v5 =	vld.idx.msk [tilespmem:v5+s13+$0x0], $0xffff  }
0xa7: {  	v12, _, _ =	vpop (xrf0)  }
0xa8: {  	v12 =	vbroadcast v12, $0xF;
	_ =	sdelay $0x1  }
0xa9: {  	v4 =	vsub.f32 v4, v12  }
0xaa: {  	vm12 =	veq.s32 v5, v0  }
0xab: {  	v4 =	vnsel vm12, $0xF149F2CA, v4  }
0xac: {  	[tilespmem:s20+$0xC900] =	vst v4  }
0xad: {  	v4 =	vld.idx.msk [tilespmem:v29+s13+$0x0], $0xffff;
	_ =	sdelay $0x3  }
0xae: {  	v5 =	vsub.f32 v30, v12  }
0xaf: {  	vm13 =	veq.s32 v4, v1  }
0xb0: {  	v4 =	vnsel vm13, $0xF149F2CA, v5  }
0xb1: {  	[tilespmem:s20+$0xC910] =	vst v4  }
0xb2: {  	v4 =	vld.idx.msk [tilespmem:v31+s13+$0x0], $0xffff;
	_ =	sdelay $0x3  }
0xb3: {  	v5 =	vsub.f32 v32, v12  }
0xb4: {  	vm14 =	veq.s32 v4, v2  }
0xb5: {  	v4 =	vnsel vm14, $0xF149F2CA, v5  }
0xb6: {  	v5 =	vld [tilespmem:s20+$0x4940];
	[tilespmem:s20+$0xC920] =	vst v4  }
0xb7: {  	v4 =	vld.idx.msk [tilespmem:v33+s13+$0x0], $0xffff;
	_ =	sdelay $0x3  }
0xb8: {  	v37 =	vsub.f32 v34, v12  }
0xb9: {  	vm15 =	veq.s32 v4, v3  }
0xba: {  	v4 =	vnsel vm15, $0xF149F2CA, v37  }
0xbb: {  	[tilespmem:s20+$0xC930] =	vst v4  }
0xbc: {  	v4 =	vld.idx.msk [tilespmem:v5+s3+$0x0], $0xffff;
	[tilespmem:v5+s14+$0x0] =	vst.idx.msk $0xffff, v0  }
0xbd: {  	v38 =	vld [tilespmem:s20+$0x4950];
	_ =	sdelay $0x7  }
0xbe: {  	v39 =	vld.idx.msk [tilespmem:v38+s3+$0x0], $0xffff;
	[tilespmem:v38+s14+$0x0] =	vst.idx.msk $0xffff, v1  }
0xbf: {  	v40 =	vld [tilespmem:s20+$0x4960];
	_ =	sdelay $0x7  }
0xc0: {  	v41 =	vld.idx.msk [tilespmem:v40+s3+$0x0], $0xffff;
	[tilespmem:v40+s14+$0x0] =	vst.idx.msk $0xffff, v2  }
0xc1: {  	v42 =	vld [tilespmem:s20+$0x4970];
	_ =	sdelay $0x7  }
0xc2: {  	v43 =	vld.idx.msk [tilespmem:v42+s3+$0x0], $0xffff;
	_ =	sdelay $0x4  }
0xc3: {  	v44 =	vmax.f32 v4, v39;
	v45 =	vmax.f32 v41, v43  }
0xc4: {  	v12 =	vmax.f32 v44, v45  }
0xc5: {  	(xrf0) =	vmax.scan.msk.f32 $0xffff, v12;
	_ =	sdelay $0x3  }
0xc6: {  	[tilespmem:v42+s14+$0x0] =	vst.idx.msk $0xffff, v3  }
0xc7: {  	v5 =	vld.idx.msk [tilespmem:v5+s14+$0x0], $0xffff  }
0xc8: {  	v12, _, _ =	vpop (xrf0)  }
0xc9: {  	v12 =	vbroadcast v12, $0xF;
	_ =	sdelay $0x1  }
0xca: {  	v4 =	vsub.f32 v4, v12  }
0xcb: {  	vm4 =	veq.s32 v5, v0  }
0xcc: {  	v4 =	vnsel vm4, $0xF149F2CA, v4  }
0xcd: {  	[tilespmem:s20+$0xC940] =	vst v4  }
0xce: {  	v4 =	vld.idx.msk [tilespmem:v38+s14+$0x0], $0xffff;
	_ =	sdelay $0x3  }
0xcf: {  	v5 =	vsub.f32 v39, v12  }
0xd0: {  	vm5 =	veq.s32 v4, v1  }
0xd1: {  	v4 =	vnsel vm5, $0xF149F2CA, v5  }
0xd2: {  	[tilespmem:s20+$0xC950] =	vst v4  }
0xd3: {  	v4 =	vld.idx.msk [tilespmem:v40+s14+$0x0], $0xffff;
	_ =	sdelay $0x3  }
0xd4: {  	v5 =	vsub.f32 v41, v12  }
0xd5: {  	vm6 =	veq.s32 v4, v2  }
0xd6: {  	v4 =	vnsel vm6, $0xF149F2CA, v5  }
0xd7: {  	v5 =	vld [tilespmem:s20+$0x4980];
	[tilespmem:s20+$0xC960] =	vst v4  }
0xd8: {  	v4 =	vld.idx.msk [tilespmem:v42+s14+$0x0], $0xffff;
	_ =	sdelay $0x3  }
0xd9: {  	v46 =	vsub.f32 v43, v12  }
0xda: {  	vm7 =	veq.s32 v4, v3  }
0xdb: {  	v4 =	vnsel vm7, $0xF149F2CA, v46  }
0xdc: {  	[tilespmem:s20+$0xC970] =	vst v4  }
0xdd: {  	v4 =	vld.idx.msk [tilespmem:v5+s3+$0x0], $0xffff;
	[tilespmem:v5+s15+$0x0] =	vst.idx.msk $0xffff, v0  }
0xde: {  	v47 =	vld [tilespmem:s20+$0x4990];
	_ =	sdelay $0x7  }
0xdf: {  	v48 =	vld.idx.msk [tilespmem:v47+s3+$0x0], $0xffff;
	[tilespmem:v47+s15+$0x0] =	vst.idx.msk $0xffff, v1  }
0xe0: {  	v49 =	vld [tilespmem:s20+$0x49A0];
	_ =	sdelay $0x7  }
0xe1: {  	v50 =	vld.idx.msk [tilespmem:v49+s3+$0x0], $0xffff;
	[tilespmem:v49+s15+$0x0] =	vst.idx.msk $0xffff, v2  }
0xe2: {  	v51 =	vld [tilespmem:s20+$0x49B0];
	_ =	sdelay $0x7  }
0xe3: {  	v52 =	vld.idx.msk [tilespmem:v51+s3+$0x0], $0xffff;
	_ =	sdelay $0x4  }
0xe4: {  	v53 =	vmax.f32 v4, v48;
	v54 =	vmax.f32 v50, v52  }
0xe5: {  	v12 =	vmax.f32 v53, v54  }
0xe6: {  	(xrf0) =	vmax.scan.msk.f32 $0xffff, v12;
	_ =	sdelay $0x3  }
0xe7: {  	[tilespmem:v51+s15+$0x0] =	vst.idx.msk $0xffff, v3  }
0xe8: {  	v5 =	vld.idx.msk [tilespmem:v5+s15+$0x0], $0xffff  }
0xe9: {  	v12, _, _ =	vpop (xrf0)  }
0xea: {  	v12 =	vbroadcast v12, $0xF;
	_ =	sdelay $0x1  }
0xeb: {  	v4 =	vsub.f32 v4, v12  }
0xec: {  	vm8 =	veq.s32 v5, v0  }
0xed: {  	v4 =	vnsel vm8, $0xF149F2CA, v4  }
0xee: {  	[tilespmem:s20+$0xC980] =	vst v4  }
0xef: {  	v4 =	vld.idx.msk [tilespmem:v47+s15+$0x0], $0xffff;
	_ =	sdelay $0x3  }
0xf0: {  	v5 =	vsub.f32 v48, v12  }
0xf1: {  	vm9 =	veq.s32 v4, v1  }
0xf2: {  	v4 =	vnsel vm9, $0xF149F2CA, v5  }
0xf3: {  	[tilespmem:s20+$0xC990] =	vst v4  }
0xf4: {  	v4 =	vld.idx.msk [tilespmem:v49+s15+$0x0], $0xffff;
	_ =	sdelay $0x3  }
0xf5: {  	v5 =	vsub.f32 v50, v12  }
0xf6: {  	vm10 =	veq.s32 v4, v2  }
0xf7: {  	v4 =	vnsel vm10, $0xF149F2CA, v5  }
0xf8: {  	v5 =	vld [tilespmem:s20+$0x49C0];
	[tilespmem:s20+$0xC9A0] =	vst v4  }
0xf9: {  	v4 =	vld.idx.msk [tilespmem:v51+s15+$0x0], $0xffff;
	_ =	sdelay $0x3  }
0xfa: {  	v55 =	vsub.f32 v52, v12  }
0xfb: {  	vm11 =	veq.s32 v4, v3  }
0xfc: {  	v4 =	vnsel vm11, $0xF149F2CA, v55  }
0xfd: {  	[tilespmem:s20+$0xC9B0] =	vst v4  }
0xfe: {  	v4 =	vld.idx.msk [tilespmem:v5+s3+$0x0], $0xffff;
	[tilespmem:v5+s16+$0x0] =	vst.idx.msk $0xffff, v0  }
0xff: {  	v56 =	vld [tilespmem:s20+$0x49D0];
	_ =	sdelay $0x7  }
0x100: {  	v57 =	vld.idx.msk [tilespmem:v56+s3+$0x0], $0xffff;
	[tilespmem:v56+s16+$0x0] =	vst.idx.msk $0xffff, v1  }
0x101: {  	v58 =	vld [tilespmem:s20+$0x49E0];
	_ =	sdelay $0x7  }
0x102: {  	v59 =	vld.idx.msk [tilespmem:v58+s3+$0x0], $0xffff;
	[tilespmem:v58+s16+$0x0] =	vst.idx.msk $0xffff, v2  }
0x103: {  	v60 =	vld [tilespmem:s20+$0x49F0];
	_ =	sdelay $0x7  }
0x104: {  	v61 =	vld.idx.msk [tilespmem:v60+s3+$0x0], $0xffff;
	_ =	sdelay $0x4  }
0x105: {  	v62 =	vmax.f32 v4, v57;
	v63 =	vmax.f32 v59, v61  }
0x106: {  	v12 =	vmax.f32 v62, v63  }
0x107: {  	(xrf0) =	vmax.scan.msk.f32 $0xffff, v12;
	_ =	sdelay $0x3  }
0x108: {  	[tilespmem:v60+s16+$0x0] =	vst.idx.msk $0xffff, v3  }
0x109: {  	v5 =	vld.idx.msk [tilespmem:v5+s16+$0x0], $0xffff  }
0x10a: {  	v12, _, _ =	vpop (xrf0)  }
0x10b: {  	v12 =	vbroadcast v12, $0xF;
	_ =	sdelay $0x1  }
0x10c: {  	v4 =	vsub.f32 v4, v12  }
0x10d: {  	vm12 =	veq.s32 v5, v0  }
0x10e: {  	v4 =	vnsel vm12, $0xF149F2CA, v4  }
0x10f: {  	[tilespmem:s20+$0xC9C0] =	vst v4  }
0x110: {  	v4 =	vld.idx.msk [tilespmem:v56+s16+$0x0], $0xffff;
	_ =	sdelay $0x3  }
0x111: {  	v5 =	vsub.f32 v57, v12  }
0x112: {  	vm13 =	veq.s32 v4, v1  }
0x113: {  	v4 =	vnsel vm13, $0xF149F2CA, v5  }
0x114: {  	[tilespmem:s20+$0xC9D0] =	vst v4  }
0x115: {  	v4 =	vld.idx.msk [tilespmem:v58+s16+$0x0], $0xffff;
	_ =	sdelay $0x3  }
0x116: {  	v5 =	vsub.f32 v59, v12  }
0x117: {  	vm14 =	veq.s32 v4, v2  }
0x118: {  	v4 =	vnsel vm14, $0xF149F2CA, v5  }
0x119: {  	[tilespmem:s20+$0xC9E0] =	vst v4  }
0x11a: {  	v4 =	vld.idx.msk [tilespmem:v60+s16+$0x0], $0xffff;
	_ =	sdelay $0x1  }
0x11b: {  	p0 =	sne.s32 s19, $0x1F800  }
.Ltmp0:
0x11c: {  	_ = 	snop;
	(pc) =	sbr.rel @p0 .LBB2_2-.Ltmp0, $4  }
0x11d: {  	v5 =	vsub.f32 v61, v12  }
0x11e: {  	vm15 =	veq.s32 v4, v3  }
0x11f: {  	v4 =	vnsel vm15, $0xF149F2CA, v5  }
0x120: {  	s19 =	sadd.s32 $0x800, s19;
	[tilespmem:s20+$0xC9F0] =	vst v4  }
0x121: {  	s18 =	sadd.s32 $0x1, s18  }
0x122: {  	p0 =	sne.s32 s18, s6  }
.Ltmp1:
0x123: {  	_ = 	snop;
	(pc) =	sbr.rel @p0 .LBB2_1-.Ltmp1, $4  }
0x124: {  	[hbm4b:s5+s3] =	stream.linear.scatter [tilespmem:s17], [sflag:$0x1], $0x8000, $0x38;
	[tilespmem:$0x14800] =	vst v63  }
0x125: {  	_ =	swait.ge [sflag:s7], $0x8000  }
0x126: {  	[sflag:s7] =	ssyncset.done $0x0  }
0x127: {  	[sflag:s7] =	ssyncadd.s32 $0xFFFF8000  }
0x128: {  	_ =	sfence.sel $0x180000  }
0x129: {  	[bflag:$0x0] =	sbarrier.arrive $0xFFFF  }
0x12a: {  	p0 =	sne.s32 s2, $0x0;
	_ =	strace $0x90000047  }
0x12b: {  	s0 =	sadd.s32 @!p0 $0x100000, s0;
	[bflag:$0x2] =	sbarrier.arrive $0xFFFF  }
0x12c: {  	[sflag:s0] =	ssyncadd.tile.s32 @!p0 $0x1;
	_ =	shalt  }
.Lfunc_end2:
_tile_overlayer_lowered:
.L_overlay_start_2:
0x12d: {  	(tag) =	ssettag $0x2  }
0x12e: {  	s0 =	rddreg [dreg:$0x0];
	s2 =	stileid.u32  }
0x12f: {  	s1 =	rddreg [dreg:$0x1];
	p0 =	sne.s32 s2, $0x0  }
0x130: {  	s3 =	rddreg [dreg:$0x2];
	[bflag:$0x3] =	sbarrier.arrive $0xFFFF;
	s2 =	simm.s32 @!p0 $0x1C01  }
0x131: {  	[timem:s3], [sflag:s2] =	dma.local @!p0 [hbm:s0], s1  }
0x132: {  	s0 =	simm.s32 @!p0 $0x1  }
0x133: {  	_ =	swait.ge @!p0 [sflag:s0], s1  }
0x134: {  	s1 =	ssub.s32 @!p0 $0x0, s1;
	[sflag:s0] =	ssyncset.done @!p0 $0x0  }
0x135: {  	[sflag:s0] =	ssyncadd.s32 @!p0 s1  }
0x136: {  	[bflag:$0x3] =	sbarrier.arrive $0xFFFF  }
0x137: {  	_ =	shalt  }

</sc_bundles>
